<compile_context>
chip_gen: v7x
topology: tpu7x:2x2x1
jax: 0.10.2.dev20260603
libtpu: 0.0.44.dev20260713+nightly
codegen_flags: <defaults>
</compile_context>

<pallas_src>
import functools

import jax
import jax.numpy as jnp
from jax import lax
from jax.experimental import pallas as pl
from jax.experimental.pallas import tpu as pltpu
from jax.experimental.pallas import tpu_sc as plsc

F = 256
K = 16
N = 10000
NE = 160000
H = 128
NC = 2
NS = 16
CH = 80
NCH = 128
EPT = CH * NCH
E_PAD = EPT * NS
N_PAD = 10240
RPT = N_PAD // NS
RCH = 80
LN2 = 0.6931471805599453


def _ssp(x):
    return jnp.maximum(x, 0.0) + jnp.log(1.0 + jnp.exp(-jnp.abs(x))) - LN2


def _mm_t(a, w):
    return lax.dot_general(a, w, (((1,), (1,)), ((), ())),
                           preferred_element_type=jnp.float32)


def _res(x, w1, b1, w2, b2):
    a = _mm_t(_ssp(x), w1) + b1
    a = _mm_t(_ssp(a), w2) + b2
    return x + a


def _node_pre(x, W_same, b_same, W_diff, b_diff):
    NB = 2000

    def body(x_ref, ws_ref, bs_ref, wd_ref, bd_ref, b_out, s_out):
        a = _ssp(x_ref[...])
        b = _mm_t(a, wd_ref[...]) + bd_ref[...]
        sf = _mm_t(a, ws_ref[...]) + bs_ref[...]
        b_out[0] = b[:, :H]
        b_out[1] = b[:, H:]
        s_out[0] = sf[:, :H]
        s_out[1] = sf[:, H:]

    return pl.pallas_call(
        body,
        grid=(N // NB,),
        in_specs=[
            pl.BlockSpec((NB, F), lambda i: (i, 0)),
            pl.BlockSpec((F, F), lambda i: (0, 0)),
            pl.BlockSpec((1, F), lambda i: (0, 0)),
            pl.BlockSpec((F, F), lambda i: (0, 0)),
            pl.BlockSpec((1, F), lambda i: (0, 0)),
        ],
        out_specs=[
            pl.BlockSpec((NC, NB, H), lambda i: (0, i, 0)),
            pl.BlockSpec((NC, NB, H), lambda i: (0, i, 0)),
        ],
        out_shape=[
            jax.ShapeDtypeStruct((NC, N_PAD, H), jnp.float32),
            jax.ShapeDtypeStruct((NC, N_PAD, H), jnp.float32),
        ],
    )(x, W_same, b_same.reshape(1, F), W_diff, b_diff.reshape(1, F))


def _gate_pre(ea_pad, W_G):
    EB = 2048

    def body(ea_ref, wg_ref, g_out):
        g = _mm_t(ea_ref[...], wg_ref[...])
        g_out[0] = g[:, :H]
        g_out[1] = g[:, H:]

    return pl.pallas_call(
        body,
        grid=(E_PAD // EB,),
        in_specs=[
            pl.BlockSpec((EB, K), lambda i: (i, 0)),
            pl.BlockSpec((F, K), lambda i: (0, 0)),
        ],
        out_specs=[pl.BlockSpec((NC, EB, H), lambda i: (0, i, 0))],
        out_shape=[jax.ShapeDtypeStruct((NC, E_PAD, H), jnp.float32)],
    )(ea_pad, W_G)[0]


def _sc_edge_aggr(bT, gT, sT, src2, dst3):
    mesh = plsc.VectorSubcoreMesh(core_axis_name="c", subcore_axis_name="s")

    @functools.partial(
        pl.kernel,
        out_type=jax.ShapeDtypeStruct((NC, N_PAD, H), jnp.float32),
        mesh=mesh,
        scratch_types=[
            pltpu.VMEM((2, CH), jnp.int32),
            pltpu.VMEM((2, CH), jnp.int32),
            pltpu.VMEM((2, CH, H), jnp.float32),
            pltpu.VMEM((2, CH, H), jnp.float32),
            pltpu.VMEM_SHARED((N_PAD, H), jnp.float32),
            pltpu.SemaphoreType.DMA,
            pltpu.SemaphoreType.DMA,
            pltpu.SemaphoreType.DMA,
            pltpu.SemaphoreType.DMA,
            pltpu.SemaphoreType.DMA,
            pltpu.SemaphoreType.DMA,
            pltpu.SemaphoreType.DMA,
            pltpu.SemaphoreType.DMA,
            pltpu.SemaphoreType.DMA,
            pltpu.SemaphoreType.DMA,
        ],
    )
    def k(bT_h, gT_h, sT_h, src_h, dst_h, out_h,
          src_v, dst_v, rows_v, gate_v, acc,
          sem_src0, sem_src1, sem_dst0, sem_dst1,
          sem_g0, sem_g1, sem_gate0, sem_gate1, sem_sc0, sem_sc1):
        c = lax.axis_index("c")
        s = lax.axis_index("s")
        sem_src = (sem_src0, sem_src1)
        sem_dst = (sem_dst0, sem_dst1)
        sem_g = (sem_g0, sem_g1)
        sem_gate = (sem_gate0, sem_gate1)
        sem_sc = (sem_sc0, sem_sc1)

        pltpu.sync_copy(sT_h.at[c, pl.ds(s * RPT, RPT)],
                        acc.at[pl.ds(s * RPT, RPT)])
        plsc.subcore_barrier()

        def start_src(g, p):
            pltpu.async_copy(src_h.at[c, s, g], src_v.at[p], sem_src[p])

        def start_dst(g, p):
            pltpu.async_copy(dst_h.at[s, g], dst_v.at[p], sem_dst[p])

        def start_gather(p):
            pltpu.async_copy(bT_h.at[src_v.at[p]], rows_v.at[p], sem_g[p])

        def start_gate(g, p):
            base = s * EPT + g * CH
            pltpu.async_copy(gT_h.at[c, pl.ds(base, CH)], gate_v.at[p], sem_gate[p])

        def wait(ring, p, dst):
            pltpu.make_async_copy(ring, dst, None).wait()

        start_src(0, 0)
        start_src(1, 1)
        pltpu.make_async_copy(src_h.at[c, s, 0], src_v.at[0], sem_src[0]).wait()
        start_gather(0)
        start_gate(0, 0)
        start_dst(0, 0)

        def chunk(g, carry):
            p = lax.rem(g, 2)

            def phase(p):
                q = 1 - p

                @pl.when(g + 1 < NCH)
                def _():
                    start_gate(g + 1, q)

                    @pl.when(g >= 1)
                    def _():
                        pltpu.make_async_copy(
                            rows_v.at[q], acc.at[dst_v.at[q]], sem_sc[q]).wait()
                    pltpu.make_async_copy(
                        src_h.at[c, s, g + 1], src_v.at[q], sem_src[q]).wait()
                    start_gather(q)
                    start_dst(g + 1, q)

                pltpu.make_async_copy(
                    bT_h.at[src_v.at[p]], rows_v.at[p], sem_g[p]).wait()

                @pl.when(g + 2 < NCH)
                def _():
                    start_src(g + 2, p)

                pltpu.make_async_copy(
                    gT_h.at[c, pl.ds(s * EPT + g * CH, CH)],
                    gate_v.at[p], sem_gate[p]).wait()

                def row(i, cc):
                    for j in range(H // 16):
                        sl = pl.ds(j * 16, 16)
                        rows_v[p, i, sl] = rows_v[p, i, sl] * gate_v[p, i, sl]
                    return cc

                lax.fori_loop(0, CH, row, 0)

                pltpu.make_async_copy(
                    dst_h.at[s, g], dst_v.at[p], sem_dst[p]).wait()
                pltpu.async_copy(rows_v.at[p], acc.at[dst_v.at[p]],
                                 sem_sc[p], add=True)

            @pl.when(p == 0)
            def _():
                phase(0)

            @pl.when(p == 1)
            def _():
                phase(1)

            return carry

        lax.fori_loop(0, NCH, chunk, 0)
        pL = (NCH - 1) % 2
        pltpu.make_async_copy(rows_v.at[1 - pL], acc.at[dst_v.at[1 - pL]],
                              sem_sc[1 - pL]).wait()
        pltpu.make_async_copy(rows_v.at[pL], acc.at[dst_v.at[pL]],
                              sem_sc[pL]).wait()

        plsc.subcore_barrier()
        pltpu.sync_copy(acc.at[pl.ds(s * RPT, RPT)],
                        out_h.at[c, pl.ds(s * RPT, RPT)])

    return k(bT, gT, sT, src2, dst3)


def _dense(msgedT, x, u, W_int_last, b_int_last,
           ri_W1, ri_b1, ri_W2, ri_b2,
           ra_W1, ra_b1, ra_W2, ra_b2,
           ro_W1, ro_b1, ro_W2, ro_b2, W_lin):
    NB = 2000
    n_ri = ri_W1.shape[0]
    n_ra = ra_W1.shape[0]
    n_ro = ro_W1.shape[0]
    n_out = W_lin.shape[0]

    def body(m_ref, x_ref, u_ref, wil_ref, bil_ref,
             riW1, rib1, riW2, rib2, raW1, rab1, raW2, rab2,
             roW1, rob1, roW2, rob2, wl_ref,
             out_ref, vi_ref, emb_ref):
        tmp = jnp.concatenate([m_ref[0], m_ref[1]], axis=1)
        for j in range(n_ri):
            tmp = _res(tmp, riW1[j], rib1[j], riW2[j], rib2[j])
        v = _mm_t(_ssp(tmp), wil_ref[...]) + bil_ref[...]
        tmp = u_ref[...] * x_ref[...] + v
        for j in range(n_ra):
            tmp = _res(tmp, raW1[j], rab1[j], raW2[j], rab2[j])
        vi_ref[...] = tmp
        for j in range(n_ro):
            tmp = _res(tmp, roW1[j], rob1[j], roW2[j], rob2[j])
        emb = _ssp(tmp)
        emb_ref[...] = emb
        out_ref[...] = _mm_t(emb, wl_ref[...])

    full = lambda shape: pl.BlockSpec(shape, lambda i: tuple(0 for _ in shape))
    return pl.pallas_call(
        body,
        grid=(N // NB,),
        in_specs=[
            pl.BlockSpec((NC, NB, H), lambda i: (0, i, 0)),
            pl.BlockSpec((NB, F), lambda i: (i, 0)),
            full((1, F)),
            full((F, F)),
            full((1, F)),
            full((n_ri, F, F)), full((n_ri, F)), full((n_ri, F, F)), full((n_ri, F)),
            full((n_ra, F, F)), full((n_ra, F)), full((n_ra, F, F)), full((n_ra, F)),
            full((n_ro, F, F)), full((n_ro, F)), full((n_ro, F, F)), full((n_ro, F)),
            full((n_out, F)),
        ],
        out_specs=[
            pl.BlockSpec((NB, n_out), lambda i: (i, 0)),
            pl.BlockSpec((NB, F), lambda i: (i, 0)),
            pl.BlockSpec((NB, F), lambda i: (i, 0)),
        ],
        out_shape=[
            jax.ShapeDtypeStruct((N, n_out), jnp.float32),
            jax.ShapeDtypeStruct((N, F), jnp.float32),
            jax.ShapeDtypeStruct((N, F), jnp.float32),
        ],
    )(msgedT, x, u.reshape(1, F), W_int_last, b_int_last.reshape(1, F),
      ri_W1, ri_b1, ri_W2, ri_b2, ra_W1, ra_b1, ra_W2, ra_b2,
      ro_W1, ro_b1, ro_W2, ro_b2, W_lin)


def kernel(x, edge_index, edge_attr, W_same, b_same, W_diff, b_diff, W_G, u,
           W_int_last, b_int_last, ri_W1, ri_b1, ri_W2, ri_b2,
           ra_W1, ra_b1, ra_W2, ra_b2, ro_W1, ro_b1, ro_W2, ro_b2, W_lin):
    src = edge_index[0]
    dst = edge_index[1]
    ea_pad = jnp.pad(edge_attr, ((0, E_PAD - NE), (0, 0)))
    src_pad = jnp.pad(src, (0, E_PAD - NE))
    dst_pad = jnp.pad(dst, (0, E_PAD - NE))
    src2 = jnp.stack([src_pad, src_pad + N_PAD]).reshape(NC, NS, NCH, CH)
    dst3 = dst_pad.reshape(NS, NCH, CH)

    bT, sT = _node_pre(x, W_same, b_same, W_diff, b_diff)
    gT = _gate_pre(ea_pad, W_G)
    msgedT = _sc_edge_aggr(bT.reshape(NC * N_PAD, H), gT, sT, src2, dst3)
    out, new_vi, emb = _dense(msgedT, x, u, W_int_last, b_int_last,
                              ri_W1, ri_b1, ri_W2, ri_b2,
                              ra_W1, ra_b1, ra_W2, ra_b2,
                              ro_W1, ro_b1, ro_W2, ro_b2, W_lin)
    return out, new_vi, emb

# --- scband reference (transcript-rebuilt; emitter-appended) ---
"""Pipeline reference for scband-phys-module-32195074851225 (READ-ONLY COPY).

The authoritative reference and input builder live on the scoring server;
editing this copy changes nothing except your own understanding.
"""

import jax, jax.numpy as jnp
import numpy as np

F = 256
K = 16
N = 10000
E = 160000
N_OUT = 2
N_RES_INT = 3
N_RES_AT = 2
N_RES_OUT = 1

def _ssp(x):
    return jax.nn.softplus(x) - jnp.log(2.0)

def _lin_init(key, o, i):
    s = 1.0 / np.sqrt(i)
    return jax.random.uniform(key, (o, i), minval=-s, maxval=s, dtype=jnp.float32)

def _res_stack(key, n):
    ks = jax.random.split(key, 2 * n)
    W1 = jnp.stack([_lin_init(ks[2 * j], F, F) for j in range(n)])
    W2 = jnp.stack([_lin_init(ks[2 * j + 1], F, F) for j in range(n)])
    b1 = jnp.zeros((n, F), dtype=jnp.float32)
    b2 = jnp.zeros((n, F), dtype=jnp.float32)
    return W1, b1, W2, b2

def setup_inputs(seed: int = 0):
    key = jax.random.key(seed)
    ks = jax.random.split(key, 16)
    inp = {}
    inp["x"] = jax.random.normal(ks[0], (N, F), dtype=jnp.float32)
    inp["edge_index"] = jax.random.randint(ks[1], (2, E), 0, N, dtype=jnp.int32)
    inp["edge_attr"] = jax.random.uniform(ks[2], (E, K), dtype=jnp.float32)
    inp["W_same"] = _lin_init(ks[3], F, F)
    inp["b_same"] = jnp.zeros((F,), dtype=jnp.float32)
    inp["W_diff"] = _lin_init(ks[4], F, F)
    inp["b_diff"] = jnp.zeros((F,), dtype=jnp.float32)
    inp["W_G"] = _lin_init(ks[5], F, K)
    inp["u"] = jnp.ones((F,), dtype=jnp.float32)
    inp["W_int_last"] = _lin_init(ks[6], F, F)
    inp["b_int_last"] = jnp.zeros((F,), dtype=jnp.float32)
    W1, b1, W2, b2 = _res_stack(ks[7], N_RES_INT)
    inp["ri_W1"], inp["ri_b1"], inp["ri_W2"], inp["ri_b2"] = W1, b1, W2, b2
    W1, b1, W2, b2 = _res_stack(ks[8], N_RES_AT)
    inp["ra_W1"], inp["ra_b1"], inp["ra_W2"], inp["ra_b2"] = W1, b1, W2, b2
    W1, b1, W2, b2 = _res_stack(ks[9], N_RES_OUT)
    inp["ro_W1"], inp["ro_b1"], inp["ro_W2"], inp["ro_b2"] = W1, b1, W2, b2
    inp["W_lin"] = _lin_init(ks[10], N_OUT, F)
    return inp

def _res_apply(x, W1, b1, W2, b2):
    a = _ssp(x) @ W1.T + b1
    a = _ssp(a) @ W2.T + b2
    return x + a

def _forward(x, edge_attr, W_same, b_same, W_diff, b_diff, W_G, u, W_int_last, b_int_last, ri_W1, ri_b1, ri_W2, ri_b2, ra_W1, ra_b1, ra_W2, ra_b2, ro_W1, ro_b1, ro_W2, ro_b2, W_lin, edge_index):
    src = edge_index[0]
    dst = edge_index[1]
    a = _ssp(x)
    # message: gated neighbor transform, gate from RBF edge features
    msg = a[src] @ W_diff.T + b_diff
    gate = edge_attr @ W_G.T
    aggr = jax.ops.segment_sum(msg * gate, dst, num_segments=N)
    # update: self transform + aggregated messages
    msged = (a @ W_same.T + b_same) + aggr
    tmp = msged
    for j in range(N_RES_INT):
        tmp = _res_apply(tmp, ri_W1[j], ri_b1[j], ri_W2[j], ri_b2[j])
    v = _ssp(tmp) @ W_int_last.T + b_int_last
    interacted = u * x + v
    tmp = interacted
    for j in range(N_RES_AT):
        tmp = _res_apply(tmp, ra_W1[j], ra_b1[j], ra_W2[j], ra_b2[j])
    new_vi = tmp
    t2 = tmp
    for j in range(N_RES_OUT):
        t2 = _res_apply(t2, ro_W1[j], ro_b1[j], ro_W2[j], ro_b2[j])
    embed_b4_ss = _ssp(t2)
    out = embed_b4_ss @ W_lin.T
    return out, new_vi, embed_b4_ss

def reference(x, edge_index, edge_attr, W_same, b_same, W_diff, b_diff, W_G, u, W_int_last, b_int_last, ri_W1, ri_b1, ri_W2, ri_b2, ra_W1, ra_b1, ra_W2, ra_b2, ro_W1, ro_b1, ro_W2, ro_b2, W_lin):
    return _forward(x, edge_attr, W_same, b_same, W_diff, b_diff, W_G, u, W_int_last, b_int_last, ri_W1, ri_b1, ri_W2, ri_b2, ra_W1, ra_b1, ra_W2, ra_b2, ro_W1, ro_b1, ro_W2, ro_b2, W_lin, edge_index)

if __name__ == "__main__":
    import jax
    _d = setup_inputs()
    print(jax.jit(kernel)(*tuple(_d.values())))

</pallas_src>

<mosaic_0001>
#map = affine_map<(d0, d1) -> (0, 0)>
#map1 = affine_map<(d0, d1) -> (0, 0, 0)>
#map2 = affine_map<(d0, d1) -> (0, 0, 0, 0)>
module attributes {stable_mosaic.version = 14 : i64} {
  func.func @k(%arg0: i32, %arg1: i32, %arg2: memref<20480x128xf32, #tpu.memory_space<hbm>>, %arg3: memref<2x163840x128xf32, #tpu.memory_space<hbm>>, %arg4: memref<2x10240x128xf32, #tpu.memory_space<hbm>>, %arg5: memref<2x16x128x80xi32, #tpu.memory_space<hbm>>, %arg6: memref<16x128x80xi32, #tpu.memory_space<hbm>>, %arg7: memref<2x10240x128xf32, #tpu.memory_space<hbm>>, %arg8: memref<2x80xi32, #tpu.memory_space<vmem>>, %arg9: memref<2x80xi32, #tpu.memory_space<vmem>>, %arg10: memref<2x80x128xf32, #tpu.memory_space<vmem>>, %arg11: memref<2x80x128xf32, #tpu.memory_space<vmem>>, %arg12: memref<10240x128xf32, #tpu.memory_space<vmem_shared>>, %arg13: memref<!tpu.dma_semaphore, #tpu.memory_space<semaphore_mem>>, %arg14: memref<!tpu.dma_semaphore, #tpu.memory_space<semaphore_mem>>, %arg15: memref<!tpu.dma_semaphore, #tpu.memory_space<semaphore_mem>>, %arg16: memref<!tpu.dma_semaphore, #tpu.memory_space<semaphore_mem>>, %arg17: memref<!tpu.dma_semaphore, #tpu.memory_space<semaphore_mem>>, %arg18: memref<!tpu.dma_semaphore, #tpu.memory_space<semaphore_mem>>, %arg19: memref<!tpu.dma_semaphore, #tpu.memory_space<semaphore_mem>>, %arg20: memref<!tpu.dma_semaphore, #tpu.memory_space<semaphore_mem>>, %arg21: memref<!tpu.dma_semaphore, #tpu.memory_space<semaphore_mem>>, %arg22: memref<!tpu.dma_semaphore, #tpu.memory_space<semaphore_mem>>) attributes {dimension_semantics = [#tpu.dimension_semantics<core_parallel>, #tpu.dimension_semantics<subcore_parallel>], iteration_bounds = array<i64: 2, 16>, scalar_prefetch = 0 : i64, scratch_operands = 15 : i64, tpu.core_type = #tpu.core_type<sc_vector_subcore>, window_params = [{transform_indices = #map}, {transform_indices = #map1}, {transform_indices = #map1}, {transform_indices = #map2}, {transform_indices = #map1}, {transform_indices = #map1}]} {
    %mul3A = arith.constant 640 : i32
    %mul3A_0 = arith.muli %arg1, %mul3A : i32
    %mul3A_1 = arith.constant 640 : i32
    %mul3A_2 = arith.muli %arg1, %mul3A_1 : i32
    "tpu.region"() ({
      %run_scoped3A = tpu.sem_alloc : memref<!tpu.dma_semaphore, #tpu.memory_space<semaphore_mem>>
      %dma_start3A_121 = arith.constant 0 : i32
      %dma_start3A_122 = tpu.memref_slice %arg12[%mul3A_2, %dma_start3A_121] : memref<10240x128xf32, #tpu.memory_space<vmem_shared>> -> memref<640x128xf32, #tpu.memory_space<vmem_shared>>
      %dma_start3A_123 = arith.constant 0 : i32
      %dma_start3A_124 = tpu.memref_slice %arg4[%arg0, %mul3A_0, %dma_start3A_123] : memref<2x10240x128xf32, #tpu.memory_space<hbm>> -> memref<1x640x128xf32, #tpu.memory_space<hbm>>
      %dma_start3A_125 = tpu.memref_squeeze %dma_start3A_124 : memref<1x640x128xf32, #tpu.memory_space<hbm>> -> memref<640x128xf32, #tpu.memory_space<hbm>>
      tpu.enqueue_dma source(%dma_start3A_125 : memref<640x128xf32, #tpu.memory_space<hbm>>) target(%dma_start3A_122 : memref<640x128xf32, #tpu.memory_space<vmem_shared>>) target_semaphore(%run_scoped3A : memref<!tpu.dma_semaphore, #tpu.memory_space<semaphore_mem>>)
      %dma_wait3A_126 = arith.constant 0 : i32
      %dma_wait3A_127 = tpu.memref_slice %arg12[%mul3A_2, %dma_wait3A_126] : memref<10240x128xf32, #tpu.memory_space<vmem_shared>> -> memref<640x128xf32, #tpu.memory_space<vmem_shared>>
      %dma_wait3A_128 = arith.constant 0 : i32
      %dma_wait3A_129 = tpu.memref_slice %arg4[%arg0, %mul3A_0, %dma_wait3A_128] : memref<2x10240x128xf32, #tpu.memory_space<hbm>> -> memref<1x640x128xf32, #tpu.memory_space<hbm>>
      %dma_wait3A_130 = tpu.memref_squeeze %dma_wait3A_129 : memref<1x640x128xf32, #tpu.memory_space<hbm>> -> memref<640x128xf32, #tpu.memory_space<hbm>>
      tpu.wait_dma2 semaphore(%run_scoped3A : memref<!tpu.dma_semaphore, #tpu.memory_space<semaphore_mem>>) src(%dma_wait3A_130 : memref<640x128xf32, #tpu.memory_space<hbm>>) dst(%dma_wait3A_127 : memref<640x128xf32, #tpu.memory_space<vmem_shared>>)
      tpu.yield
    }) : () -> ()
    %barrier3A = arith.constant 0 : index
    tpu.barrier barrier_id(%barrier3A)
    %dma_start3A = arith.constant 0 : i32
    %dma_start3A_3 = arith.constant 0 : i32
    %dma_start3A_4 = arith.constant 0 : i32
    %dma_start3A_5 = tpu.memref_slice %arg8[%dma_start3A_3, %dma_start3A_4] : memref<2x80xi32, #tpu.memory_space<vmem>> -> memref<1x80xi32, #tpu.memory_space<vmem>>
    %dma_start3A_6 = tpu.memref_squeeze %dma_start3A_5 : memref<1x80xi32, #tpu.memory_space<vmem>> -> memref<80xi32, #tpu.memory_space<vmem>>
    %dma_start3A_7 = arith.constant 0 : i32
    %dma_start3A_8 = tpu.memref_slice %arg5[%arg0, %arg1, %dma_start3A, %dma_start3A_7] : memref<2x16x128x80xi32, #tpu.memory_space<hbm>> -> memref<1x1x1x80xi32, #tpu.memory_space<hbm>>
    %dma_start3A_9 = tpu.memref_squeeze %dma_start3A_8 : memref<1x1x1x80xi32, #tpu.memory_space<hbm>> -> memref<80xi32, #tpu.memory_space<hbm>>
    %dma_start3A_10 = arith.constant 0 : i32
    %dma_start3A_11 = tpu.memref_slice %arg8[%dma_start3A_3, %dma_start3A_10] : memref<2x80xi32, #tpu.memory_space<vmem>> -> memref<1x80xi32, #tpu.memory_space<vmem>>
    %dma_start3A_12 = tpu.memref_squeeze %dma_start3A_11 : memref<1x80xi32, #tpu.memory_space<vmem>> -> memref<80xi32, #tpu.memory_space<vmem>>
    %dma_start3A_13 = arith.constant 0 : i32
    %dma_start3A_14 = tpu.memref_slice %arg5[%arg0, %arg1, %dma_start3A, %dma_start3A_13] : memref<2x16x128x80xi32, #tpu.memory_space<hbm>> -> memref<1x1x1x80xi32, #tpu.memory_space<hbm>>
    %dma_start3A_15 = tpu.memref_squeeze %dma_start3A_14 : memref<1x1x1x80xi32, #tpu.memory_space<hbm>> -> memref<80xi32, #tpu.memory_space<hbm>>
    tpu.enqueue_dma source(%dma_start3A_15 : memref<80xi32, #tpu.memory_space<hbm>>) target(%dma_start3A_12 : memref<80xi32, #tpu.memory_space<vmem>>) target_semaphore(%arg13 : memref<!tpu.dma_semaphore, #tpu.memory_space<semaphore_mem>>)
    %dma_start3A_16 = arith.constant 1 : i32
    %dma_start3A_17 = arith.constant 1 : i32
    %dma_start3A_18 = arith.constant 0 : i32
    %dma_start3A_19 = tpu.memref_slice %arg8[%dma_start3A_17, %dma_start3A_18] : memref<2x80xi32, #tpu.memory_space<vmem>> -> memref<1x80xi32, #tpu.memory_space<vmem>>
    %dma_start3A_20 = tpu.memref_squeeze %dma_start3A_19 : memref<1x80xi32, #tpu.memory_space<vmem>> -> memref<80xi32, #tpu.memory_space<vmem>>
    %dma_start3A_21 = arith.constant 0 : i32
    %dma_start3A_22 = tpu.memref_slice %arg5[%arg0, %arg1, %dma_start3A_16, %dma_start3A_21] : memref<2x16x128x80xi32, #tpu.memory_space<hbm>> -> memref<1x1x1x80xi32, #tpu.memory_space<hbm>>
    %dma_start3A_23 = tpu.memref_squeeze %dma_start3A_22 : memref<1x1x1x80xi32, #tpu.memory_space<hbm>> -> memref<80xi32, #tpu.memory_space<hbm>>
    %dma_start3A_24 = arith.constant 0 : i32
    %dma_start3A_25 = tpu.memref_slice %arg8[%dma_start3A_17, %dma_start3A_24] : memref<2x80xi32, #tpu.memory_space<vmem>> -> memref<1x80xi32, #tpu.memory_space<vmem>>
    %dma_start3A_26 = tpu.memref_squeeze %dma_start3A_25 : memref<1x80xi32, #tpu.memory_space<vmem>> -> memref<80xi32, #tpu.memory_space<vmem>>
    %dma_start3A_27 = arith.constant 0 : i32
    %dma_start3A_28 = tpu.memref_slice %arg5[%arg0, %arg1, %dma_start3A_16, %dma_start3A_27] : memref<2x16x128x80xi32, #tpu.memory_space<hbm>> -> memref<1x1x1x80xi32, #tpu.memory_space<hbm>>
    %dma_start3A_29 = tpu.memref_squeeze %dma_start3A_28 : memref<1x1x1x80xi32, #tpu.memory_space<hbm>> -> memref<80xi32, #tpu.memory_space<hbm>>
    tpu.enqueue_dma source(%dma_start3A_29 : memref<80xi32, #tpu.memory_space<hbm>>) target(%dma_start3A_26 : memref<80xi32, #tpu.memory_space<vmem>>) target_semaphore(%arg14 : memref<!tpu.dma_semaphore, #tpu.memory_space<semaphore_mem>>)
    %dma_wait3A = arith.constant 0 : i32
    %dma_wait3A_30 = arith.constant 0 : i32
    %dma_wait3A_31 = arith.constant 0 : i32
    %dma_wait3A_32 = tpu.memref_slice %arg8[%dma_wait3A_30, %dma_wait3A_31] : memref<2x80xi32, #tpu.memory_space<vmem>> -> memref<1x80xi32, #tpu.memory_space<vmem>>
    %dma_wait3A_33 = tpu.memref_squeeze %dma_wait3A_32 : memref<1x80xi32, #tpu.memory_space<vmem>> -> memref<80xi32, #tpu.memory_space<vmem>>
    %dma_wait3A_34 = arith.constant 0 : i32
    %dma_wait3A_35 = tpu.memref_slice %arg5[%arg0, %arg1, %dma_wait3A, %dma_wait3A_34] : memref<2x16x128x80xi32, #tpu.memory_space<hbm>> -> memref<1x1x1x80xi32, #tpu.memory_space<hbm>>
    %dma_wait3A_36 = tpu.memref_squeeze %dma_wait3A_35 : memref<1x1x1x80xi32, #tpu.memory_space<hbm>> -> memref<80xi32, #tpu.memory_space<hbm>>
    %dma_wait3A_37 = arith.constant 0 : i32
    %dma_wait3A_38 = tpu.memref_slice %arg8[%dma_wait3A_30, %dma_wait3A_37] : memref<2x80xi32, #tpu.memory_space<vmem>> -> memref<1x80xi32, #tpu.memory_space<vmem>>
    %dma_wait3A_39 = tpu.memref_squeeze %dma_wait3A_38 : memref<1x80xi32, #tpu.memory_space<vmem>> -> memref<80xi32, #tpu.memory_space<vmem>>
    %dma_wait3A_40 = arith.constant 0 : i32
    %dma_wait3A_41 = tpu.memref_slice %arg5[%arg0, %arg1, %dma_wait3A, %dma_wait3A_40] : memref<2x16x128x80xi32, #tpu.memory_space<hbm>> -> memref<1x1x1x80xi32, #tpu.memory_space<hbm>>
    %dma_wait3A_42 = tpu.memref_squeeze %dma_wait3A_41 : memref<1x1x1x80xi32, #tpu.memory_space<hbm>> -> memref<80xi32, #tpu.memory_space<hbm>>
    tpu.wait_dma2 semaphore(%arg13 : memref<!tpu.dma_semaphore, #tpu.memory_space<semaphore_mem>>) src(%dma_wait3A_42 : memref<80xi32, #tpu.memory_space<hbm>>) dst(%dma_wait3A_39 : memref<80xi32, #tpu.memory_space<vmem>>)
    %dma_start3A_43 = arith.constant 0 : i32
    %dma_start3A_44 = arith.constant 0 : i32
    %dma_start3A_45 = arith.constant 0 : i32
    %dma_start3A_46 = arith.constant 0 : i32
    %dma_start3A_47 = tpu.memref_slice %arg10[%dma_start3A_44, %dma_start3A_45, %dma_start3A_46] : memref<2x80x128xf32, #tpu.memory_space<vmem>> -> memref<1x80x128xf32, #tpu.memory_space<vmem>>
    %dma_start3A_48 = tpu.memref_squeeze %dma_start3A_47 : memref<1x80x128xf32, #tpu.memory_space<vmem>> -> memref<80x128xf32, #tpu.memory_space<vmem>>
    %dma_start3A_49 = arith.constant 0 : i32
    %dma_start3A_50 = tpu.memref_slice %arg8[%dma_start3A_43, %dma_start3A_49] : memref<2x80xi32, #tpu.memory_space<vmem>> -> memref<1x80xi32, #tpu.memory_space<vmem>>
    %dma_start3A_51 = tpu.memref_squeeze %dma_start3A_50 : memref<1x80xi32, #tpu.memory_space<vmem>> -> memref<80xi32, #tpu.memory_space<vmem>>
    %dma_start3A_52 = arith.constant 0 : i32
    %dma_start3A_53 = arith.constant 0 : i32
    %dma_start3A_54 = tpu.memref_slice %arg2[%dma_start3A_52, %dma_start3A_53] : memref<20480x128xf32, #tpu.memory_space<hbm>> -> memref<20480x128xf32, #tpu.memory_space<hbm>>
    tpu.enqueue_indirect_dma source(%dma_start3A_54 : memref<20480x128xf32, #tpu.memory_space<hbm>>) target(%dma_start3A_48 : memref<80x128xf32, #tpu.memory_space<vmem>>) offsets(%dma_start3A_51 : memref<80xi32, #tpu.memory_space<vmem>>) semaphore(%arg17 : memref<!tpu.dma_semaphore, #tpu.memory_space<semaphore_mem>>)
    %mul3A_55 = arith.constant 10240 : i32
    %mul3A_56 = arith.muli %arg1, %mul3A_55 : i32
    %add3A = arith.constant 0 : i32
    %add3A_57 = arith.addi %mul3A_56, %add3A : i32
    %dma_start3A_58 = arith.constant 0 : i32
    %dma_start3A_59 = arith.constant 0 : i32
    %dma_start3A_60 = arith.constant 0 : i32
    %dma_start3A_61 = tpu.memref_slice %arg11[%dma_start3A_58, %dma_start3A_59, %dma_start3A_60] : memref<2x80x128xf32, #tpu.memory_space<vmem>> -> memref<1x80x128xf32, #tpu.memory_space<vmem>>
    %dma_start3A_62 = tpu.memref_squeeze %dma_start3A_61 : memref<1x80x128xf32, #tpu.memory_space<vmem>> -> memref<80x128xf32, #tpu.memory_space<vmem>>
    %dma_start3A_63 = arith.constant 0 : i32
    %dma_start3A_64 = tpu.memref_slice %arg3[%arg0, %add3A_57, %dma_start3A_63] : memref<2x163840x128xf32, #tpu.memory_space<hbm>> -> memref<1x80x128xf32, #tpu.memory_space<hbm>>
    %dma_start3A_65 = tpu.memref_squeeze %dma_start3A_64 : memref<1x80x128xf32, #tpu.memory_space<hbm>> -> memref<80x128xf32, #tpu.memory_space<hbm>>
    %dma_start3A_66 = arith.constant 0 : i32
    %dma_start3A_67 = arith.constant 0 : i32
    %dma_start3A_68 = tpu.memref_slice %arg11[%dma_start3A_58, %dma_start3A_66, %dma_start3A_67] : memref<2x80x128xf32, #tpu.memory_space<vmem>> -> memref<1x80x128xf32, #tpu.memory_space<vmem>>
    %dma_start3A_69 = tpu.memref_squeeze %dma_start3A_68 : memref<1x80x128xf32, #tpu.memory_space<vmem>> -> memref<80x128xf32, #tpu.memory_space<vmem>>
    %dma_start3A_70 = arith.constant 0 : i32
    %dma_start3A_71 = tpu.memref_slice %arg3[%arg0, %add3A_57, %dma_start3A_70] : memref<2x163840x128xf32, #tpu.memory_space<hbm>> -> memref<1x80x128xf32, #tpu.memory_space<hbm>>
    %dma_start3A_72 = tpu.memref_squeeze %dma_start3A_71 : memref<1x80x128xf32, #tpu.memory_space<hbm>> -> memref<80x128xf32, #tpu.memory_space<hbm>>
    tpu.enqueue_dma source(%dma_start3A_72 : memref<80x128xf32, #tpu.memory_space<hbm>>) target(%dma_start3A_69 : memref<80x128xf32, #tpu.memory_space<vmem>>) target_semaphore(%arg19 : memref<!tpu.dma_semaphore, #tpu.memory_space<semaphore_mem>>)
    %dma_start3A_73 = arith.constant 0 : i32
    %dma_start3A_74 = arith.constant 0 : i32
    %dma_start3A_75 = arith.constant 0 : i32
    %dma_start3A_76 = tpu.memref_slice %arg9[%dma_start3A_74, %dma_start3A_75] : memref<2x80xi32, #tpu.memory_space<vmem>> -> memref<1x80xi32, #tpu.memory_space<vmem>>
    %dma_start3A_77 = tpu.memref_squeeze %dma_start3A_76 : memref<1x80xi32, #tpu.memory_space<vmem>> -> memref<80xi32, #tpu.memory_space<vmem>>
    %dma_start3A_78 = arith.constant 0 : i32
    %dma_start3A_79 = tpu.memref_slice %arg6[%arg1, %dma_start3A_73, %dma_start3A_78] : memref<16x128x80xi32, #tpu.memory_space<hbm>> -> memref<1x1x80xi32, #tpu.memory_space<hbm>>
    %dma_start3A_80 = tpu.memref_squeeze %dma_start3A_79 : memref<1x1x80xi32, #tpu.memory_space<hbm>> -> memref<80xi32, #tpu.memory_space<hbm>>
    %dma_start3A_81 = arith.constant 0 : i32
    %dma_start3A_82 = tpu.memref_slice %arg9[%dma_start3A_74, %dma_start3A_81] : memref<2x80xi32, #tpu.memory_space<vmem>> -> memref<1x80xi32, #tpu.memory_space<vmem>>
    %dma_start3A_83 = tpu.memref_squeeze %dma_start3A_82 : memref<1x80xi32, #tpu.memory_space<vmem>> -> memref<80xi32, #tpu.memory_space<vmem>>
    %dma_start3A_84 = arith.constant 0 : i32
    %dma_start3A_85 = tpu.memref_slice %arg6[%arg1, %dma_start3A_73, %dma_start3A_84] : memref<16x128x80xi32, #tpu.memory_space<hbm>> -> memref<1x1x80xi32, #tpu.memory_space<hbm>>
    %dma_start3A_86 = tpu.memref_squeeze %dma_start3A_85 : memref<1x1x80xi32, #tpu.memory_space<hbm>> -> memref<80xi32, #tpu.memory_space<hbm>>
    tpu.enqueue_dma source(%dma_start3A_86 : memref<80xi32, #tpu.memory_space<hbm>>) target(%dma_start3A_83 : memref<80xi32, #tpu.memory_space<vmem>>) target_semaphore(%arg15 : memref<!tpu.dma_semaphore, #tpu.memory_space<semaphore_mem>>)
    %scan3A = arith.constant 0 : i32
    %scan3A_87 = arith.constant 0 : i32
    %scan3A_88 = arith.constant 128 : i32
    %scan3A_89 = arith.addi %scan3A_87, %scan3A_88 : i32
    %scan3A_90 = arith.constant 1 : i32
    scf.for %scan3A_121 = %scan3A_87 to %scan3A_89 step %scan3A_90  : i32 {
      %rem3A = arith.constant 2 : i32
      %rem3A_122 = arith.remsi %scan3A_121, %rem3A : i32
      %eq3A = arith.constant 0 : i32
      %eq3A_123 = arith.cmpi eq, %rem3A_122, %eq3A : i32
      %convert_element_type3A = arith.extui %eq3A_123 : i1 to i32
      %cond3A = arith.constant 0 : i32
      %cond3A_124 = arith.cmpi ne, %convert_element_type3A, %cond3A : i32
      scf.if %cond3A_124 {
        %add3A_130 = arith.constant 1 : i32
        %add3A_131 = arith.addi %scan3A_121, %add3A_130 : i32
        %lt3A = arith.constant 128 : i32
        %lt3A_132 = arith.cmpi slt, %add3A_131, %lt3A : i32
        %convert_element_type3A_133 = arith.extui %lt3A_132 : i1 to i32
        %cond3A_134 = arith.constant 0 : i32
        %cond3A_135 = arith.cmpi ne, %convert_element_type3A_133, %cond3A_134 : i32
        scf.if %cond3A_135 {
          %add3A_206 = arith.constant 1 : i32
          %add3A_207 = arith.addi %scan3A_121, %add3A_206 : i32
          %mul3A_208 = arith.constant 10240 : i32
          %mul3A_209 = arith.muli %arg1, %mul3A_208 : i32
          %mul3A_210 = arith.constant 80 : i32
          %mul3A_211 = arith.muli %add3A_207, %mul3A_210 : i32
          %add3A_212 = arith.addi %mul3A_209, %mul3A_211 : i32
          %dma_start3A_213 = arith.constant 1 : i32
          %dma_start3A_214 = arith.constant 0 : i32
          %dma_start3A_215 = arith.constant 0 : i32
          %dma_start3A_216 = tpu.memref_slice %arg11[%dma_start3A_213, %dma_start3A_214, %dma_start3A_215] : memref<2x80x128xf32, #tpu.memory_space<vmem>> -> memref<1x80x128xf32, #tpu.memory_space<vmem>>
          %dma_start3A_217 = tpu.memref_squeeze %dma_start3A_216 : memref<1x80x128xf32, #tpu.memory_space<vmem>> -> memref<80x128xf32, #tpu.memory_space<vmem>>
          %dma_start3A_218 = arith.constant 0 : i32
          %dma_start3A_219 = tpu.memref_slice %arg3[%arg0, %add3A_212, %dma_start3A_218] : memref<2x163840x128xf32, #tpu.memory_space<hbm>> -> memref<1x80x128xf32, #tpu.memory_space<hbm>>
          %dma_start3A_220 = tpu.memref_squeeze %dma_start3A_219 : memref<1x80x128xf32, #tpu.memory_space<hbm>> -> memref<80x128xf32, #tpu.memory_space<hbm>>
          %dma_start3A_221 = arith.constant 0 : i32
          %dma_start3A_222 = arith.constant 0 : i32
          %dma_start3A_223 = tpu.memref_slice %arg11[%dma_start3A_213, %dma_start3A_221, %dma_start3A_222] : memref<2x80x128xf32, #tpu.memory_space<vmem>> -> memref<1x80x128xf32, #tpu.memory_space<vmem>>
          %dma_start3A_224 = tpu.memref_squeeze %dma_start3A_223 : memref<1x80x128xf32, #tpu.memory_space<vmem>> -> memref<80x128xf32, #tpu.memory_space<vmem>>
          %dma_start3A_225 = arith.constant 0 : i32
          %dma_start3A_226 = tpu.memref_slice %arg3[%arg0, %add3A_212, %dma_start3A_225] : memref<2x163840x128xf32, #tpu.memory_space<hbm>> -> memref<1x80x128xf32, #tpu.memory_space<hbm>>
          %dma_start3A_227 = tpu.memref_squeeze %dma_start3A_226 : memref<1x80x128xf32, #tpu.memory_space<hbm>> -> memref<80x128xf32, #tpu.memory_space<hbm>>
          tpu.enqueue_dma source(%dma_start3A_227 : memref<80x128xf32, #tpu.memory_space<hbm>>) target(%dma_start3A_224 : memref<80x128xf32, #tpu.memory_space<vmem>>) target_semaphore(%arg20 : memref<!tpu.dma_semaphore, #tpu.memory_space<semaphore_mem>>)
          %ge3A = arith.constant 1 : i32
          %ge3A_228 = arith.cmpi sge, %scan3A_121, %ge3A : i32
          %convert_element_type3A_229 = arith.extui %ge3A_228 : i1 to i32
          %cond3A_230 = arith.constant 0 : i32
          %cond3A_231 = arith.cmpi ne, %convert_element_type3A_229, %cond3A_230 : i32
          scf.if %cond3A_231 {
            %dma_wait3A_274 = arith.constant 1 : i32
            %dma_wait3A_275 = arith.constant 1 : i32
            %dma_wait3A_276 = arith.constant 0 : i32
            %dma_wait3A_277 = arith.constant 0 : i32
            %dma_wait3A_278 = tpu.memref_slice %arg10[%dma_wait3A_274, %dma_wait3A_276, %dma_wait3A_277] : memref<2x80x128xf32, #tpu.memory_space<vmem>> -> memref<1x80x128xf32, #tpu.memory_space<vmem>>
            %dma_wait3A_279 = tpu.memref_squeeze %dma_wait3A_278 : memref<1x80x128xf32, #tpu.memory_space<vmem>> -> memref<80x128xf32, #tpu.memory_space<vmem>>
            %dma_wait3A_280 = arith.constant 0 : i32
            %dma_wait3A_281 = tpu.memref_slice %arg9[%dma_wait3A_275, %dma_wait3A_280] : memref<2x80xi32, #tpu.memory_space<vmem>> -> memref<1x80xi32, #tpu.memory_space<vmem>>
            %dma_wait3A_282 = tpu.memref_squeeze %dma_wait3A_281 : memref<1x80xi32, #tpu.memory_space<vmem>> -> memref<80xi32, #tpu.memory_space<vmem>>
            %dma_wait3A_283 = arith.constant 0 : i32
            %dma_wait3A_284 = arith.constant 0 : i32
            %dma_wait3A_285 = tpu.memref_slice %arg12[%dma_wait3A_283, %dma_wait3A_284] : memref<10240x128xf32, #tpu.memory_space<vmem_shared>> -> memref<10240x128xf32, #tpu.memory_space<vmem_shared>>
            tpu.wait_indirect_dma semaphore(%arg22 : memref<!tpu.dma_semaphore, #tpu.memory_space<semaphore_mem>>) src(%dma_wait3A_279 : memref<80x128xf32, #tpu.memory_space<vmem>>) dst(%dma_wait3A_285 : memref<10240x128xf32, #tpu.memory_space<vmem_shared>>)
          } else {
          }
          %add3A_232 = arith.constant 1 : i32
          %add3A_233 = arith.addi %scan3A_121, %add3A_232 : i32
          %dma_wait3A_234 = arith.constant 1 : i32
          %dma_wait3A_235 = arith.constant 0 : i32
          %dma_wait3A_236 = tpu.memref_slice %arg8[%dma_wait3A_234, %dma_wait3A_235] : memref<2x80xi32, #tpu.memory_space<vmem>> -> memref<1x80xi32, #tpu.memory_space<vmem>>
          %dma_wait3A_237 = tpu.memref_squeeze %dma_wait3A_236 : memref<1x80xi32, #tpu.memory_space<vmem>> -> memref<80xi32, #tpu.memory_space<vmem>>
          %dma_wait3A_238 = arith.constant 0 : i32
          %dma_wait3A_239 = tpu.memref_slice %arg5[%arg0, %arg1, %add3A_233, %dma_wait3A_238] : memref<2x16x128x80xi32, #tpu.memory_space<hbm>> -> memref<1x1x1x80xi32, #tpu.memory_space<hbm>>
          %dma_wait3A_240 = tpu.memref_squeeze %dma_wait3A_239 : memref<1x1x1x80xi32, #tpu.memory_space<hbm>> -> memref<80xi32, #tpu.memory_space<hbm>>
          %dma_wait3A_241 = arith.constant 0 : i32
          %dma_wait3A_242 = tpu.memref_slice %arg8[%dma_wait3A_234, %dma_wait3A_241] : memref<2x80xi32, #tpu.memory_space<vmem>> -> memref<1x80xi32, #tpu.memory_space<vmem>>
          %dma_wait3A_243 = tpu.memref_squeeze %dma_wait3A_242 : memref<1x80xi32, #tpu.memory_space<vmem>> -> memref<80xi32, #tpu.memory_space<vmem>>
          %dma_wait3A_244 = arith.constant 0 : i32
          %dma_wait3A_245 = tpu.memref_slice %arg5[%arg0, %arg1, %add3A_233, %dma_wait3A_244] : memref<2x16x128x80xi32, #tpu.memory_space<hbm>> -> memref<1x1x1x80xi32, #tpu.memory_space<hbm>>
          %dma_wait3A_246 = tpu.memref_squeeze %dma_wait3A_245 : memref<1x1x1x80xi32, #tpu.memory_space<hbm>> -> memref<80xi32, #tpu.memory_space<hbm>>
          tpu.wait_dma2 semaphore(%arg14 : memref<!tpu.dma_semaphore, #tpu.memory_space<semaphore_mem>>) src(%dma_wait3A_246 : memref<80xi32, #tpu.memory_space<hbm>>) dst(%dma_wait3A_243 : memref<80xi32, #tpu.memory_space<vmem>>)
          %dma_start3A_247 = arith.constant 1 : i32
          %dma_start3A_248 = arith.constant 1 : i32
          %dma_start3A_249 = arith.constant 0 : i32
          %dma_start3A_250 = arith.constant 0 : i32
          %dma_start3A_251 = tpu.memref_slice %arg10[%dma_start3A_248, %dma_start3A_249, %dma_start3A_250] : memref<2x80x128xf32, #tpu.memory_space<vmem>> -> memref<1x80x128xf32, #tpu.memory_space<vmem>>
          %dma_start3A_252 = tpu.memref_squeeze %dma_start3A_251 : memref<1x80x128xf32, #tpu.memory_space<vmem>> -> memref<80x128xf32, #tpu.memory_space<vmem>>
          %dma_start3A_253 = arith.constant 0 : i32
          %dma_start3A_254 = tpu.memref_slice %arg8[%dma_start3A_247, %dma_start3A_253] : memref<2x80xi32, #tpu.memory_space<vmem>> -> memref<1x80xi32, #tpu.memory_space<vmem>>
          %dma_start3A_255 = tpu.memref_squeeze %dma_start3A_254 : memref<1x80xi32, #tpu.memory_space<vmem>> -> memref<80xi32, #tpu.memory_space<vmem>>
          %dma_start3A_256 = arith.constant 0 : i32
          %dma_start3A_257 = arith.constant 0 : i32
          %dma_start3A_258 = tpu.memref_slice %arg2[%dma_start3A_256, %dma_start3A_257] : memref<20480x128xf32, #tpu.memory_space<hbm>> -> memref<20480x128xf32, #tpu.memory_space<hbm>>
          tpu.enqueue_indirect_dma source(%dma_start3A_258 : memref<20480x128xf32, #tpu.memory_space<hbm>>) target(%dma_start3A_252 : memref<80x128xf32, #tpu.memory_space<vmem>>) offsets(%dma_start3A_255 : memref<80xi32, #tpu.memory_space<vmem>>) semaphore(%arg18 : memref<!tpu.dma_semaphore, #tpu.memory_space<semaphore_mem>>)
          %add3A_259 = arith.constant 1 : i32
          %add3A_260 = arith.addi %scan3A_121, %add3A_259 : i32
          %dma_start3A_261 = arith.constant 1 : i32
          %dma_start3A_262 = arith.constant 0 : i32
          %dma_start3A_263 = tpu.memref_slice %arg9[%dma_start3A_261, %dma_start3A_262] : memref<2x80xi32, #tpu.memory_space<vmem>> -> memref<1x80xi32, #tpu.memory_space<vmem>>
          %dma_start3A_264 = tpu.memref_squeeze %dma_start3A_263 : memref<1x80xi32, #tpu.memory_space<vmem>> -> memref<80xi32, #tpu.memory_space<vmem>>
          %dma_start3A_265 = arith.constant 0 : i32
          %dma_start3A_266 = tpu.memref_slice %arg6[%arg1, %add3A_260, %dma_start3A_265] : memref<16x128x80xi32, #tpu.memory_space<hbm>> -> memref<1x1x80xi32, #tpu.memory_space<hbm>>
          %dma_start3A_267 = tpu.memref_squeeze %dma_start3A_266 : memref<1x1x80xi32, #tpu.memory_space<hbm>> -> memref<80xi32, #tpu.memory_space<hbm>>
          %dma_start3A_268 = arith.constant 0 : i32
          %dma_start3A_269 = tpu.memref_slice %arg9[%dma_start3A_261, %dma_start3A_268] : memref<2x80xi32, #tpu.memory_space<vmem>> -> memref<1x80xi32, #tpu.memory_space<vmem>>
          %dma_start3A_270 = tpu.memref_squeeze %dma_start3A_269 : memref<1x80xi32, #tpu.memory_space<vmem>> -> memref<80xi32, #tpu.memory_space<vmem>>
          %dma_start3A_271 = arith.constant 0 : i32
          %dma_start3A_272 = tpu.memref_slice %arg6[%arg1, %add3A_260, %dma_start3A_271] : memref<16x128x80xi32, #tpu.memory_space<hbm>> -> memref<1x1x80xi32, #tpu.memory_space<hbm>>
          %dma_start3A_273 = tpu.memref_squeeze %dma_start3A_272 : memref<1x1x80xi32, #tpu.memory_space<hbm>> -> memref<80xi32, #tpu.memory_space<hbm>>
          tpu.enqueue_dma source(%dma_start3A_273 : memref<80xi32, #tpu.memory_space<hbm>>) target(%dma_start3A_270 : memref<80xi32, #tpu.memory_space<vmem>>) target_semaphore(%arg16 : memref<!tpu.dma_semaphore, #tpu.memory_space<semaphore_mem>>)
        } else {
        }
        %dma_wait3A_136 = arith.constant 0 : i32
        %dma_wait3A_137 = arith.constant 0 : i32
        %dma_wait3A_138 = arith.constant 0 : i32
        %dma_wait3A_139 = arith.constant 0 : i32
        %dma_wait3A_140 = tpu.memref_slice %arg10[%dma_wait3A_137, %dma_wait3A_138, %dma_wait3A_139] : memref<2x80x128xf32, #tpu.memory_space<vmem>> -> memref<1x80x128xf32, #tpu.memory_space<vmem>>
        %dma_wait3A_141 = tpu.memref_squeeze %dma_wait3A_140 : memref<1x80x128xf32, #tpu.memory_space<vmem>> -> memref<80x128xf32, #tpu.memory_space<vmem>>
        %dma_wait3A_142 = arith.constant 0 : i32
        %dma_wait3A_143 = tpu.memref_slice %arg8[%dma_wait3A_136, %dma_wait3A_142] : memref<2x80xi32, #tpu.memory_space<vmem>> -> memref<1x80xi32, #tpu.memory_space<vmem>>
        %dma_wait3A_144 = tpu.memref_squeeze %dma_wait3A_143 : memref<1x80xi32, #tpu.memory_space<vmem>> -> memref<80xi32, #tpu.memory_space<vmem>>
        %dma_wait3A_145 = arith.constant 0 : i32
        %dma_wait3A_146 = arith.constant 0 : i32
        %dma_wait3A_147 = tpu.memref_slice %arg2[%dma_wait3A_145, %dma_wait3A_146] : memref<20480x128xf32, #tpu.memory_space<hbm>> -> memref<20480x128xf32, #tpu.memory_space<hbm>>
        tpu.wait_indirect_dma semaphore(%arg17 : memref<!tpu.dma_semaphore, #tpu.memory_space<semaphore_mem>>) src(%dma_wait3A_147 : memref<20480x128xf32, #tpu.memory_space<hbm>>) dst(%dma_wait3A_141 : memref<80x128xf32, #tpu.memory_space<vmem>>)
        %add3A_148 = arith.constant 2 : i32
        %add3A_149 = arith.addi %scan3A_121, %add3A_148 : i32
        %lt3A_150 = arith.constant 128 : i32
        %lt3A_151 = arith.cmpi slt, %add3A_149, %lt3A_150 : i32
        %convert_element_type3A_152 = arith.extui %lt3A_151 : i1 to i32
        %cond3A_153 = arith.constant 0 : i32
        %cond3A_154 = arith.cmpi ne, %convert_element_type3A_152, %cond3A_153 : i32
        scf.if %cond3A_154 {
          %add3A_206 = arith.constant 2 : i32
          %add3A_207 = arith.addi %scan3A_121, %add3A_206 : i32
          %dma_start3A_208 = arith.constant 0 : i32
          %dma_start3A_209 = arith.constant 0 : i32
          %dma_start3A_210 = tpu.memref_slice %arg8[%dma_start3A_208, %dma_start3A_209] : memref<2x80xi32, #tpu.memory_space<vmem>> -> memref<1x80xi32, #tpu.memory_space<vmem>>
          %dma_start3A_211 = tpu.memref_squeeze %dma_start3A_210 : memref<1x80xi32, #tpu.memory_space<vmem>> -> memref<80xi32, #tpu.memory_space<vmem>>
          %dma_start3A_212 = arith.constant 0 : i32
          %dma_start3A_213 = tpu.memref_slice %arg5[%arg0, %arg1, %add3A_207, %dma_start3A_212] : memref<2x16x128x80xi32, #tpu.memory_space<hbm>> -> memref<1x1x1x80xi32, #tpu.memory_space<hbm>>
          %dma_start3A_214 = tpu.memref_squeeze %dma_start3A_213 : memref<1x1x1x80xi32, #tpu.memory_space<hbm>> -> memref<80xi32, #tpu.memory_space<hbm>>
          %dma_start3A_215 = arith.constant 0 : i32
          %dma_start3A_216 = tpu.memref_slice %arg8[%dma_start3A_208, %dma_start3A_215] : memref<2x80xi32, #tpu.memory_space<vmem>> -> memref<1x80xi32, #tpu.memory_space<vmem>>
          %dma_start3A_217 = tpu.memref_squeeze %dma_start3A_216 : memref<1x80xi32, #tpu.memory_space<vmem>> -> memref<80xi32, #tpu.memory_space<vmem>>
          %dma_start3A_218 = arith.constant 0 : i32
          %dma_start3A_219 = tpu.memref_slice %arg5[%arg0, %arg1, %add3A_207, %dma_start3A_218] : memref<2x16x128x80xi32, #tpu.memory_space<hbm>> -> memref<1x1x1x80xi32, #tpu.memory_space<hbm>>
          %dma_start3A_220 = tpu.memref_squeeze %dma_start3A_219 : memref<1x1x1x80xi32, #tpu.memory_space<hbm>> -> memref<80xi32, #tpu.memory_space<hbm>>
          tpu.enqueue_dma source(%dma_start3A_220 : memref<80xi32, #tpu.memory_space<hbm>>) target(%dma_start3A_217 : memref<80xi32, #tpu.memory_space<vmem>>) target_semaphore(%arg13 : memref<!tpu.dma_semaphore, #tpu.memory_space<semaphore_mem>>)
        } else {
        }
        %mul3A_155 = arith.constant 10240 : i32
        %mul3A_156 = arith.muli %arg1, %mul3A_155 : i32
        %mul3A_157 = arith.constant 80 : i32
        %mul3A_158 = arith.muli %scan3A_121, %mul3A_157 : i32
        %add3A_159 = arith.addi %mul3A_156, %mul3A_158 : i32
        %dma_wait3A_160 = arith.constant 0 : i32
        %dma_wait3A_161 = arith.constant 0 : i32
        %dma_wait3A_162 = arith.constant 0 : i32
        %dma_wait3A_163 = tpu.memref_slice %arg11[%dma_wait3A_160, %dma_wait3A_161, %dma_wait3A_162] : memref<2x80x128xf32, #tpu.memory_space<vmem>> -> memref<1x80x128xf32, #tpu.memory_space<vmem>>
        %dma_wait3A_164 = tpu.memref_squeeze %dma_wait3A_163 : memref<1x80x128xf32, #tpu.memory_space<vmem>> -> memref<80x128xf32, #tpu.memory_space<vmem>>
        %dma_wait3A_165 = arith.constant 0 : i32
        %dma_wait3A_166 = tpu.memref_slice %arg3[%arg0, %add3A_159, %dma_wait3A_165] : memref<2x163840x128xf32, #tpu.memory_space<hbm>> -> memref<1x80x128xf32, #tpu.memory_space<hbm>>
        %dma_wait3A_167 = tpu.memref_squeeze %dma_wait3A_166 : memref<1x80x128xf32, #tpu.memory_space<hbm>> -> memref<80x128xf32, #tpu.memory_space<hbm>>
        %dma_wait3A_168 = arith.constant 0 : i32
        %dma_wait3A_169 = arith.constant 0 : i32
        %dma_wait3A_170 = tpu.memref_slice %arg11[%dma_wait3A_160, %dma_wait3A_168, %dma_wait3A_169] : memref<2x80x128xf32, #tpu.memory_space<vmem>> -> memref<1x80x128xf32, #tpu.memory_space<vmem>>
        %dma_wait3A_171 = tpu.memref_squeeze %dma_wait3A_170 : memref<1x80x128xf32, #tpu.memory_space<vmem>> -> memref<80x128xf32, #tpu.memory_space<vmem>>
        %dma_wait3A_172 = arith.constant 0 : i32
        %dma_wait3A_173 = tpu.memref_slice %arg3[%arg0, %add3A_159, %dma_wait3A_172] : memref<2x163840x128xf32, #tpu.memory_space<hbm>> -> memref<1x80x128xf32, #tpu.memory_space<hbm>>
        %dma_wait3A_174 = tpu.memref_squeeze %dma_wait3A_173 : memref<1x80x128xf32, #tpu.memory_space<hbm>> -> memref<80x128xf32, #tpu.memory_space<hbm>>
        tpu.wait_dma2 semaphore(%arg19 : memref<!tpu.dma_semaphore, #tpu.memory_space<semaphore_mem>>) src(%dma_wait3A_174 : memref<80x128xf32, #tpu.memory_space<hbm>>) dst(%dma_wait3A_171 : memref<80x128xf32, #tpu.memory_space<vmem>>)
        %scan3A_175 = arith.constant 0 : i32
        %scan3A_176 = arith.constant 0 : i32
        %scan3A_177 = arith.constant 80 : i32
        %scan3A_178 = arith.addi %scan3A_176, %scan3A_177 : i32
        %scan3A_179 = arith.constant 1 : i32
        scf.for %scan3A_206 = %scan3A_176 to %scan3A_178 step %scan3A_179  : i32 {
          %get3A = arith.constant 0 : i32
          %get3A_207 = arith.index_cast %get3A : i32 to index
          %get3A_208 = arith.index_cast %scan3A_206 : i32 to index
          %get3A_209 = arith.constant 0 : index
          %get3A_210 = tpu.vector_load %arg10[%get3A_207, %get3A_208, %get3A_209] {strides = array<i32>} : memref<2x80x128xf32, #tpu.memory_space<vmem>>, vector<1x1x16xf32>,
          %get3A_211 = vector.shape_cast %get3A_210 : vector<1x1x16xf32> to vector<16xf32>
          %get3A_212 = arith.constant 0 : i32
          %get3A_213 = arith.index_cast %get3A_212 : i32 to index
          %get3A_214 = arith.index_cast %scan3A_206 : i32 to index
          %get3A_215 = arith.constant 0 : index
          %get3A_216 = tpu.vector_load %arg11[%get3A_213, %get3A_214, %get3A_215] {strides = array<i32>} : memref<2x80x128xf32, #tpu.memory_space<vmem>>, vector<1x1x16xf32>,
          %get3A_217 = vector.shape_cast %get3A_216 : vector<1x1x16xf32> to vector<16xf32>
          %mul3A_218 = arith.mulf %get3A_211, %get3A_217 : vector<16xf32>
          %swap3A = arith.constant 0 : i32
          %swap3A_219 = arith.index_cast %swap3A : i32 to index
          %swap3A_220 = arith.index_cast %scan3A_206 : i32 to index
          %swap3A_221 = arith.constant 0 : index
          %swap3A_222 = tpu.vector_load %arg10[%swap3A_219, %swap3A_220, %swap3A_221] {strides = array<i32>} : memref<2x80x128xf32, #tpu.memory_space<vmem>>, vector<1x1x16xf32>,
          %swap3A_223 = vector.shape_cast %swap3A_222 : vector<1x1x16xf32> to vector<16xf32>
          %swap3A_224 = vector.shape_cast %mul3A_218 : vector<16xf32> to vector<1x1x16xf32>
          tpu.vector_store %arg10[%swap3A_219, %swap3A_220, %swap3A_221], %swap3A_224 {strides = array<i32>} : memref<2x80x128xf32, #tpu.memory_space<vmem>>, vector<1x1x16xf32>,
          %get3A_225 = arith.constant 0 : i32
          %get3A_226 = arith.index_cast %get3A_225 : i32 to index
          %get3A_227 = arith.index_cast %scan3A_206 : i32 to index
          %get3A_228 = arith.constant 16 : index
          %get3A_229 = tpu.vector_load %arg10[%get3A_226, %get3A_227, %get3A_228] {strides = array<i32>} : memref<2x80x128xf32, #tpu.memory_space<vmem>>, vector<1x1x16xf32>,
          %get3A_230 = vector.shape_cast %get3A_229 : vector<1x1x16xf32> to vector<16xf32>
          %get3A_231 = arith.constant 0 : i32
          %get3A_232 = arith.index_cast %get3A_231 : i32 to index
          %get3A_233 = arith.index_cast %scan3A_206 : i32 to index
          %get3A_234 = arith.constant 16 : index
          %get3A_235 = tpu.vector_load %arg11[%get3A_232, %get3A_233, %get3A_234] {strides = array<i32>} : memref<2x80x128xf32, #tpu.memory_space<vmem>>, vector<1x1x16xf32>,
          %get3A_236 = vector.shape_cast %get3A_235 : vector<1x1x16xf32> to vector<16xf32>
          %mul3A_237 = arith.mulf %get3A_230, %get3A_236 : vector<16xf32>
          %swap3A_238 = arith.constant 0 : i32
          %swap3A_239 = arith.index_cast %swap3A_238 : i32 to index
          %swap3A_240 = arith.index_cast %scan3A_206 : i32 to index
          %swap3A_241 = arith.constant 16 : index
          %swap3A_242 = tpu.vector_load %arg10[%swap3A_239, %swap3A_240, %swap3A_241] {strides = array<i32>} : memref<2x80x128xf32, #tpu.memory_space<vmem>>, vector<1x1x16xf32>,
          %swap3A_243 = vector.shape_cast %swap3A_242 : vector<1x1x16xf32> to vector<16xf32>
          %swap3A_244 = vector.shape_cast %mul3A_237 : vector<16xf32> to vector<1x1x16xf32>
          tpu.vector_store %arg10[%swap3A_239, %swap3A_240, %swap3A_241], %swap3A_244 {strides = array<i32>} : memref<2x80x128xf32, #tpu.memory_space<vmem>>, vector<1x1x16xf32>,
          %get3A_245 = arith.constant 0 : i32
          %get3A_246 = arith.index_cast %get3A_245 : i32 to index
          %get3A_247 = arith.index_cast %scan3A_206 : i32 to index
          %get3A_248 = arith.constant 32 : index
          %get3A_249 = tpu.vector_load %arg10[%get3A_246, %get3A_247, %get3A_248] {strides = array<i32>} : memref<2x80x128xf32, #tpu.memory_space<vmem>>, vector<1x1x16xf32>,
          %get3A_250 = vector.shape_cast %get3A_249 : vector<1x1x16xf32> to vector<16xf32>
          %get3A_251 = arith.constant 0 : i32
          %get3A_252 = arith.index_cast %get3A_251 : i32 to index
          %get3A_253 = arith.index_cast %scan3A_206 : i32 to index
          %get3A_254 = arith.constant 32 : index
          %get3A_255 = tpu.vector_load %arg11[%get3A_252, %get3A_253, %get3A_254] {strides = array<i32>} : memref<2x80x128xf32, #tpu.memory_space<vmem>>, vector<1x1x16xf32>,
          %get3A_256 = vector.shape_cast %get3A_255 : vector<1x1x16xf32> to vector<16xf32>
          %mul3A_257 = arith.mulf %get3A_250, %get3A_256 : vector<16xf32>
          %swap3A_258 = arith.constant 0 : i32
          %swap3A_259 = arith.index_cast %swap3A_258 : i32 to index
          %swap3A_260 = arith.index_cast %scan3A_206 : i32 to index
          %swap3A_261 = arith.constant 32 : index
          %swap3A_262 = tpu.vector_load %arg10[%swap3A_259, %swap3A_260, %swap3A_261] {strides = array<i32>} : memref<2x80x128xf32, #tpu.memory_space<vmem>>, vector<1x1x16xf32>,
          %swap3A_263 = vector.shape_cast %swap3A_262 : vector<1x1x16xf32> to vector<16xf32>
          %swap3A_264 = vector.shape_cast %mul3A_257 : vector<16xf32> to vector<1x1x16xf32>
          tpu.vector_store %arg10[%swap3A_259, %swap3A_260, %swap3A_261], %swap3A_264 {strides = array<i32>} : memref<2x80x128xf32, #tpu.memory_space<vmem>>, vector<1x1x16xf32>,
          %get3A_265 = arith.constant 0 : i32
          %get3A_266 = arith.index_cast %get3A_265 : i32 to index
          %get3A_267 = arith.index_cast %scan3A_206 : i32 to index
          %get3A_268 = arith.constant 48 : index
          %get3A_269 = tpu.vector_load %arg10[%get3A_266, %get3A_267, %get3A_268] {strides = array<i32>} : memref<2x80x128xf32, #tpu.memory_space<vmem>>, vector<1x1x16xf32>,
          %get3A_270 = vector.shape_cast %get3A_269 : vector<1x1x16xf32> to vector<16xf32>
          %get3A_271 = arith.constant 0 : i32
          %get3A_272 = arith.index_cast %get3A_271 : i32 to index
          %get3A_273 = arith.index_cast %scan3A_206 : i32 to index
          %get3A_274 = arith.constant 48 : index
          %get3A_275 = tpu.vector_load %arg11[%get3A_272, %get3A_273, %get3A_274] {strides = array<i32>} : memref<2x80x128xf32, #tpu.memory_space<vmem>>, vector<1x1x16xf32>,
          %get3A_276 = vector.shape_cast %get3A_275 : vector<1x1x16xf32> to vector<16xf32>
          %mul3A_277 = arith.mulf %get3A_270, %get3A_276 : vector<16xf32>
          %swap3A_278 = arith.constant 0 : i32
          %swap3A_279 = arith.index_cast %swap3A_278 : i32 to index
          %swap3A_280 = arith.index_cast %scan3A_206 : i32 to index
          %swap3A_281 = arith.constant 48 : index
          %swap3A_282 = tpu.vector_load %arg10[%swap3A_279, %swap3A_280, %swap3A_281] {strides = array<i32>} : memref<2x80x128xf32, #tpu.memory_space<vmem>>, vector<1x1x16xf32>,
          %swap3A_283 = vector.shape_cast %swap3A_282 : vector<1x1x16xf32> to vector<16xf32>
          %swap3A_284 = vector.shape_cast %mul3A_277 : vector<16xf32> to vector<1x1x16xf32>
          tpu.vector_store %arg10[%swap3A_279, %swap3A_280, %swap3A_281], %swap3A_284 {strides = array<i32>} : memref<2x80x128xf32, #tpu.memory_space<vmem>>, vector<1x1x16xf32>,
          %get3A_285 = arith.constant 0 : i32
          %get3A_286 = arith.index_cast %get3A_285 : i32 to index
          %get3A_287 = arith.index_cast %scan3A_206 : i32 to index
          %get3A_288 = arith.constant 64 : index
          %get3A_289 = tpu.vector_load %arg10[%get3A_286, %get3A_287, %get3A_288] {strides = array<i32>} : memref<2x80x128xf32, #tpu.memory_space<vmem>>, vector<1x1x16xf32>,
          %get3A_290 = vector.shape_cast %get3A_289 : vector<1x1x16xf32> to vector<16xf32>
          %get3A_291 = arith.constant 0 : i32
          %get3A_292 = arith.index_cast %get3A_291 : i32 to index
          %get3A_293 = arith.index_cast %scan3A_206 : i32 to index
          %get3A_294 = arith.constant 64 : index
          %get3A_295 = tpu.vector_load %arg11[%get3A_292, %get3A_293, %get3A_294] {strides = array<i32>} : memref<2x80x128xf32, #tpu.memory_space<vmem>>, vector<1x1x16xf32>,
          %get3A_296 = vector.shape_cast %get3A_295 : vector<1x1x16xf32> to vector<16xf32>
          %mul3A_297 = arith.mulf %get3A_290, %get3A_296 : vector<16xf32>
          %swap3A_298 = arith.constant 0 : i32
          %swap3A_299 = arith.index_cast %swap3A_298 : i32 to index
          %swap3A_300 = arith.index_cast %scan3A_206 : i32 to index
          %swap3A_301 = arith.constant 64 : index
          %swap3A_302 = tpu.vector_load %arg10[%swap3A_299, %swap3A_300, %swap3A_301] {strides = array<i32>} : memref<2x80x128xf32, #tpu.memory_space<vmem>>, vector<1x1x16xf32>,
          %swap3A_303 = vector.shape_cast %swap3A_302 : vector<1x1x16xf32> to vector<16xf32>
          %swap3A_304 = vector.shape_cast %mul3A_297 : vector<16xf32> to vector<1x1x16xf32>
          tpu.vector_store %arg10[%swap3A_299, %swap3A_300, %swap3A_301], %swap3A_304 {strides = array<i32>} : memref<2x80x128xf32, #tpu.memory_space<vmem>>, vector<1x1x16xf32>,
          %get3A_305 = arith.constant 0 : i32
          %get3A_306 = arith.index_cast %get3A_305 : i32 to index
          %get3A_307 = arith.index_cast %scan3A_206 : i32 to index
          %get3A_308 = arith.constant 80 : index
          %get3A_309 = tpu.vector_load %arg10[%get3A_306, %get3A_307, %get3A_308] {strides = array<i32>} : memref<2x80x128xf32, #tpu.memory_space<vmem>>, vector<1x1x16xf32>,
          %get3A_310 = vector.shape_cast %get3A_309 : vector<1x1x16xf32> to vector<16xf32>
          %get3A_311 = arith.constant 0 : i32
          %get3A_312 = arith.index_cast %get3A_311 : i32 to index
          %get3A_313 = arith.index_cast %scan3A_206 : i32 to index
          %get3A_314 = arith.constant 80 : index
          %get3A_315 = tpu.vector_load %arg11[%get3A_312, %get3A_313, %get3A_314] {strides = array<i32>} : memref<2x80x128xf32, #tpu.memory_space<vmem>>, vector<1x1x16xf32>,
          %get3A_316 = vector.shape_cast %get3A_315 : vector<1x1x16xf32> to vector<16xf32>
          %mul3A_317 = arith.mulf %get3A_310, %get3A_316 : vector<16xf32>
          %swap3A_318 = arith.constant 0 : i32
          %swap3A_319 = arith.index_cast %swap3A_318 : i32 to index
          %swap3A_320 = arith.index_cast %scan3A_206 : i32 to index
          %swap3A_321 = arith.constant 80 : index
          %swap3A_322 = tpu.vector_load %arg10[%swap3A_319, %swap3A_320, %swap3A_321] {strides = array<i32>} : memref<2x80x128xf32, #tpu.memory_space<vmem>>, vector<1x1x16xf32>,
          %swap3A_323 = vector.shape_cast %swap3A_322 : vector<1x1x16xf32> to vector<16xf32>
          %swap3A_324 = vector.shape_cast %mul3A_317 : vector<16xf32> to vector<1x1x16xf32>
          tpu.vector_store %arg10[%swap3A_319, %swap3A_320, %swap3A_321], %swap3A_324 {strides = array<i32>} : memref<2x80x128xf32, #tpu.memory_space<vmem>>, vector<1x1x16xf32>,
          %get3A_325 = arith.constant 0 : i32
          %get3A_326 = arith.index_cast %get3A_325 : i32 to index
          %get3A_327 = arith.index_cast %scan3A_206 : i32 to index
          %get3A_328 = arith.constant 96 : index
          %get3A_329 = tpu.vector_load %arg10[%get3A_326, %get3A_327, %get3A_328] {strides = array<i32>} : memref<2x80x128xf32, #tpu.memory_space<vmem>>, vector<1x1x16xf32>,
          %get3A_330 = vector.shape_cast %get3A_329 : vector<1x1x16xf32> to vector<16xf32>
          %get3A_331 = arith.constant 0 : i32
          %get3A_332 = arith.index_cast %get3A_331 : i32 to index
          %get3A_333 = arith.index_cast %scan3A_206 : i32 to index
          %get3A_334 = arith.constant 96 : index
          %get3A_335 = tpu.vector_load %arg11[%get3A_332, %get3A_333, %get3A_334] {strides = array<i32>} : memref<2x80x128xf32, #tpu.memory_space<vmem>>, vector<1x1x16xf32>,
          %get3A_336 = vector.shape_cast %get3A_335 : vector<1x1x16xf32> to vector<16xf32>
          %mul3A_337 = arith.mulf %get3A_330, %get3A_336 : vector<16xf32>
          %swap3A_338 = arith.constant 0 : i32
          %swap3A_339 = arith.index_cast %swap3A_338 : i32 to index
          %swap3A_340 = arith.index_cast %scan3A_206 : i32 to index
          %swap3A_341 = arith.constant 96 : index
          %swap3A_342 = tpu.vector_load %arg10[%swap3A_339, %swap3A_340, %swap3A_341] {strides = array<i32>} : memref<2x80x128xf32, #tpu.memory_space<vmem>>, vector<1x1x16xf32>,
          %swap3A_343 = vector.shape_cast %swap3A_342 : vector<1x1x16xf32> to vector<16xf32>
          %swap3A_344 = vector.shape_cast %mul3A_337 : vector<16xf32> to vector<1x1x16xf32>
          tpu.vector_store %arg10[%swap3A_339, %swap3A_340, %swap3A_341], %swap3A_344 {strides = array<i32>} : memref<2x80x128xf32, #tpu.memory_space<vmem>>, vector<1x1x16xf32>,
          %get3A_345 = arith.constant 0 : i32
          %get3A_346 = arith.index_cast %get3A_345 : i32 to index
          %get3A_347 = arith.index_cast %scan3A_206 : i32 to index
          %get3A_348 = arith.constant 112 : index
          %get3A_349 = tpu.vector_load %arg10[%get3A_346, %get3A_347, %get3A_348] {strides = array<i32>} : memref<2x80x128xf32, #tpu.memory_space<vmem>>, vector<1x1x16xf32>,
          %get3A_350 = vector.shape_cast %get3A_349 : vector<1x1x16xf32> to vector<16xf32>
          %get3A_351 = arith.constant 0 : i32
          %get3A_352 = arith.index_cast %get3A_351 : i32 to index
          %get3A_353 = arith.index_cast %scan3A_206 : i32 to index
          %get3A_354 = arith.constant 112 : index
          %get3A_355 = tpu.vector_load %arg11[%get3A_352, %get3A_353, %get3A_354] {strides = array<i32>} : memref<2x80x128xf32, #tpu.memory_space<vmem>>, vector<1x1x16xf32>,
          %get3A_356 = vector.shape_cast %get3A_355 : vector<1x1x16xf32> to vector<16xf32>
          %mul3A_357 = arith.mulf %get3A_350, %get3A_356 : vector<16xf32>
          %swap3A_358 = arith.constant 0 : i32
          %swap3A_359 = arith.index_cast %swap3A_358 : i32 to index
          %swap3A_360 = arith.index_cast %scan3A_206 : i32 to index
          %swap3A_361 = arith.constant 112 : index
          %swap3A_362 = tpu.vector_load %arg10[%swap3A_359, %swap3A_360, %swap3A_361] {strides = array<i32>} : memref<2x80x128xf32, #tpu.memory_space<vmem>>, vector<1x1x16xf32>,
          %swap3A_363 = vector.shape_cast %swap3A_362 : vector<1x1x16xf32> to vector<16xf32>
          %swap3A_364 = vector.shape_cast %mul3A_357 : vector<16xf32> to vector<1x1x16xf32>
          tpu.vector_store %arg10[%swap3A_359, %swap3A_360, %swap3A_361], %swap3A_364 {strides = array<i32>} : memref<2x80x128xf32, #tpu.memory_space<vmem>>, vector<1x1x16xf32>,
        }
        %scan3A_180 = arith.constant 80 : i32
        %dma_wait3A_181 = arith.constant 0 : i32
        %dma_wait3A_182 = arith.constant 0 : i32
        %dma_wait3A_183 = tpu.memref_slice %arg9[%dma_wait3A_181, %dma_wait3A_182] : memref<2x80xi32, #tpu.memory_space<vmem>> -> memref<1x80xi32, #tpu.memory_space<vmem>>
        %dma_wait3A_184 = tpu.memref_squeeze %dma_wait3A_183 : memref<1x80xi32, #tpu.memory_space<vmem>> -> memref<80xi32, #tpu.memory_space<vmem>>
        %dma_wait3A_185 = arith.constant 0 : i32
        %dma_wait3A_186 = tpu.memref_slice %arg6[%arg1, %scan3A_121, %dma_wait3A_185] : memref<16x128x80xi32, #tpu.memory_space<hbm>> -> memref<1x1x80xi32, #tpu.memory_space<hbm>>
        %dma_wait3A_187 = tpu.memref_squeeze %dma_wait3A_186 : memref<1x1x80xi32, #tpu.memory_space<hbm>> -> memref<80xi32, #tpu.memory_space<hbm>>
        %dma_wait3A_188 = arith.constant 0 : i32
        %dma_wait3A_189 = tpu.memref_slice %arg9[%dma_wait3A_181, %dma_wait3A_188] : memref<2x80xi32, #tpu.memory_space<vmem>> -> memref<1x80xi32, #tpu.memory_space<vmem>>
        %dma_wait3A_190 = tpu.memref_squeeze %dma_wait3A_189 : memref<1x80xi32, #tpu.memory_space<vmem>> -> memref<80xi32, #tpu.memory_space<vmem>>
        %dma_wait3A_191 = arith.constant 0 : i32
        %dma_wait3A_192 = tpu.memref_slice %arg6[%arg1, %scan3A_121, %dma_wait3A_191] : memref<16x128x80xi32, #tpu.memory_space<hbm>> -> memref<1x1x80xi32, #tpu.memory_space<hbm>>
        %dma_wait3A_193 = tpu.memref_squeeze %dma_wait3A_192 : memref<1x1x80xi32, #tpu.memory_space<hbm>> -> memref<80xi32, #tpu.memory_space<hbm>>
        tpu.wait_dma2 semaphore(%arg15 : memref<!tpu.dma_semaphore, #tpu.memory_space<semaphore_mem>>) src(%dma_wait3A_193 : memref<80xi32, #tpu.memory_space<hbm>>) dst(%dma_wait3A_190 : memref<80xi32, #tpu.memory_space<vmem>>)
        %dma_start3A_194 = arith.constant 0 : i32
        %dma_start3A_195 = arith.constant 0 : i32
        %dma_start3A_196 = arith.constant 0 : i32
        %dma_start3A_197 = arith.constant 0 : i32
        %dma_start3A_198 = tpu.memref_slice %arg10[%dma_start3A_194, %dma_start3A_196, %dma_start3A_197] : memref<2x80x128xf32, #tpu.memory_space<vmem>> -> memref<1x80x128xf32, #tpu.memory_space<vmem>>
        %dma_start3A_199 = tpu.memref_squeeze %dma_start3A_198 : memref<1x80x128xf32, #tpu.memory_space<vmem>> -> memref<80x128xf32, #tpu.memory_space<vmem>>
        %dma_start3A_200 = arith.constant 0 : i32
        %dma_start3A_201 = tpu.memref_slice %arg9[%dma_start3A_195, %dma_start3A_200] : memref<2x80xi32, #tpu.memory_space<vmem>> -> memref<1x80xi32, #tpu.memory_space<vmem>>
        %dma_start3A_202 = tpu.memref_squeeze %dma_start3A_201 : memref<1x80xi32, #tpu.memory_space<vmem>> -> memref<80xi32, #tpu.memory_space<vmem>>
        %dma_start3A_203 = arith.constant 0 : i32
        %dma_start3A_204 = arith.constant 0 : i32
        %dma_start3A_205 = tpu.memref_slice %arg12[%dma_start3A_203, %dma_start3A_204] : memref<10240x128xf32, #tpu.memory_space<vmem_shared>> -> memref<10240x128xf32, #tpu.memory_space<vmem_shared>>
        tpu.enqueue_indirect_dma source(%dma_start3A_199 : memref<80x128xf32, #tpu.memory_space<vmem>>) target(%dma_start3A_205 : memref<10240x128xf32, #tpu.memory_space<vmem_shared>>) offsets(%dma_start3A_202 : memref<80xi32, #tpu.memory_space<vmem>>) semaphore(%arg21 : memref<!tpu.dma_semaphore, #tpu.memory_space<semaphore_mem>>) {add = true}
      } else {
      }
      %eq3A_125 = arith.constant 1 : i32
      %eq3A_126 = arith.cmpi eq, %rem3A_122, %eq3A_125 : i32
      %convert_element_type3A_127 = arith.extui %eq3A_126 : i1 to i32
      %cond3A_128 = arith.constant 0 : i32
      %cond3A_129 = arith.cmpi ne, %convert_element_type3A_127, %cond3A_128 : i32
      scf.if %cond3A_129 {
        %add3A_130 = arith.constant 1 : i32
        %add3A_131 = arith.addi %scan3A_121, %add3A_130 : i32
        %lt3A = arith.constant 128 : i32
        %lt3A_132 = arith.cmpi slt, %add3A_131, %lt3A : i32
        %convert_element_type3A_133 = arith.extui %lt3A_132 : i1 to i32
        %cond3A_134 = arith.constant 0 : i32
        %cond3A_135 = arith.cmpi ne, %convert_element_type3A_133, %cond3A_134 : i32
        scf.if %cond3A_135 {
          %add3A_206 = arith.constant 1 : i32
          %add3A_207 = arith.addi %scan3A_121, %add3A_206 : i32
          %mul3A_208 = arith.constant 10240 : i32
          %mul3A_209 = arith.muli %arg1, %mul3A_208 : i32
          %mul3A_210 = arith.constant 80 : i32
          %mul3A_211 = arith.muli %add3A_207, %mul3A_210 : i32
          %add3A_212 = arith.addi %mul3A_209, %mul3A_211 : i32
          %dma_start3A_213 = arith.constant 0 : i32
          %dma_start3A_214 = arith.constant 0 : i32
          %dma_start3A_215 = arith.constant 0 : i32
          %dma_start3A_216 = tpu.memref_slice %arg11[%dma_start3A_213, %dma_start3A_214, %dma_start3A_215] : memref<2x80x128xf32, #tpu.memory_space<vmem>> -> memref<1x80x128xf32, #tpu.memory_space<vmem>>
          %dma_start3A_217 = tpu.memref_squeeze %dma_start3A_216 : memref<1x80x128xf32, #tpu.memory_space<vmem>> -> memref<80x128xf32, #tpu.memory_space<vmem>>
          %dma_start3A_218 = arith.constant 0 : i32
          %dma_start3A_219 = tpu.memref_slice %arg3[%arg0, %add3A_212, %dma_start3A_218] : memref<2x163840x128xf32, #tpu.memory_space<hbm>> -> memref<1x80x128xf32, #tpu.memory_space<hbm>>
          %dma_start3A_220 = tpu.memref_squeeze %dma_start3A_219 : memref<1x80x128xf32, #tpu.memory_space<hbm>> -> memref<80x128xf32, #tpu.memory_space<hbm>>
          %dma_start3A_221 = arith.constant 0 : i32
          %dma_start3A_222 = arith.constant 0 : i32
          %dma_start3A_223 = tpu.memref_slice %arg11[%dma_start3A_213, %dma_start3A_221, %dma_start3A_222] : memref<2x80x128xf32, #tpu.memory_space<vmem>> -> memref<1x80x128xf32, #tpu.memory_space<vmem>>
          %dma_start3A_224 = tpu.memref_squeeze %dma_start3A_223 : memref<1x80x128xf32, #tpu.memory_space<vmem>> -> memref<80x128xf32, #tpu.memory_space<vmem>>
          %dma_start3A_225 = arith.constant 0 : i32
          %dma_start3A_226 = tpu.memref_slice %arg3[%arg0, %add3A_212, %dma_start3A_225] : memref<2x163840x128xf32, #tpu.memory_space<hbm>> -> memref<1x80x128xf32, #tpu.memory_space<hbm>>
          %dma_start3A_227 = tpu.memref_squeeze %dma_start3A_226 : memref<1x80x128xf32, #tpu.memory_space<hbm>> -> memref<80x128xf32, #tpu.memory_space<hbm>>
          tpu.enqueue_dma source(%dma_start3A_227 : memref<80x128xf32, #tpu.memory_space<hbm>>) target(%dma_start3A_224 : memref<80x128xf32, #tpu.memory_space<vmem>>) target_semaphore(%arg19 : memref<!tpu.dma_semaphore, #tpu.memory_space<semaphore_mem>>)
          %ge3A = arith.constant 1 : i32
          %ge3A_228 = arith.cmpi sge, %scan3A_121, %ge3A : i32
          %convert_element_type3A_229 = arith.extui %ge3A_228 : i1 to i32
          %cond3A_230 = arith.constant 0 : i32
          %cond3A_231 = arith.cmpi ne, %convert_element_type3A_229, %cond3A_230 : i32
          scf.if %cond3A_231 {
            %dma_wait3A_274 = arith.constant 0 : i32
            %dma_wait3A_275 = arith.constant 0 : i32
            %dma_wait3A_276 = arith.constant 0 : i32
            %dma_wait3A_277 = arith.constant 0 : i32
            %dma_wait3A_278 = tpu.memref_slice %arg10[%dma_wait3A_274, %dma_wait3A_276, %dma_wait3A_277] : memref<2x80x128xf32, #tpu.memory_space<vmem>> -> memref<1x80x128xf32, #tpu.memory_space<vmem>>
            %dma_wait3A_279 = tpu.memref_squeeze %dma_wait3A_278 : memref<1x80x128xf32, #tpu.memory_space<vmem>> -> memref<80x128xf32, #tpu.memory_space<vmem>>
            %dma_wait3A_280 = arith.constant 0 : i32
            %dma_wait3A_281 = tpu.memref_slice %arg9[%dma_wait3A_275, %dma_wait3A_280] : memref<2x80xi32, #tpu.memory_space<vmem>> -> memref<1x80xi32, #tpu.memory_space<vmem>>
            %dma_wait3A_282 = tpu.memref_squeeze %dma_wait3A_281 : memref<1x80xi32, #tpu.memory_space<vmem>> -> memref<80xi32, #tpu.memory_space<vmem>>
            %dma_wait3A_283 = arith.constant 0 : i32
            %dma_wait3A_284 = arith.constant 0 : i32
            %dma_wait3A_285 = tpu.memref_slice %arg12[%dma_wait3A_283, %dma_wait3A_284] : memref<10240x128xf32, #tpu.memory_space<vmem_shared>> -> memref<10240x128xf32, #tpu.memory_space<vmem_shared>>
            tpu.wait_indirect_dma semaphore(%arg21 : memref<!tpu.dma_semaphore, #tpu.memory_space<semaphore_mem>>) src(%dma_wait3A_279 : memref<80x128xf32, #tpu.memory_space<vmem>>) dst(%dma_wait3A_285 : memref<10240x128xf32, #tpu.memory_space<vmem_shared>>)
          } else {
          }
          %add3A_232 = arith.constant 1 : i32
          %add3A_233 = arith.addi %scan3A_121, %add3A_232 : i32
          %dma_wait3A_234 = arith.constant 0 : i32
          %dma_wait3A_235 = arith.constant 0 : i32
          %dma_wait3A_236 = tpu.memref_slice %arg8[%dma_wait3A_234, %dma_wait3A_235] : memref<2x80xi32, #tpu.memory_space<vmem>> -> memref<1x80xi32, #tpu.memory_space<vmem>>
          %dma_wait3A_237 = tpu.memref_squeeze %dma_wait3A_236 : memref<1x80xi32, #tpu.memory_space<vmem>> -> memref<80xi32, #tpu.memory_space<vmem>>
          %dma_wait3A_238 = arith.constant 0 : i32
          %dma_wait3A_239 = tpu.memref_slice %arg5[%arg0, %arg1, %add3A_233, %dma_wait3A_238] : memref<2x16x128x80xi32, #tpu.memory_space<hbm>> -> memref<1x1x1x80xi32, #tpu.memory_space<hbm>>
          %dma_wait3A_240 = tpu.memref_squeeze %dma_wait3A_239 : memref<1x1x1x80xi32, #tpu.memory_space<hbm>> -> memref<80xi32, #tpu.memory_space<hbm>>
          %dma_wait3A_241 = arith.constant 0 : i32
          %dma_wait3A_242 = tpu.memref_slice %arg8[%dma_wait3A_234, %dma_wait3A_241] : memref<2x80xi32, #tpu.memory_space<vmem>> -> memref<1x80xi32, #tpu.memory_space<vmem>>
          %dma_wait3A_243 = tpu.memref_squeeze %dma_wait3A_242 : memref<1x80xi32, #tpu.memory_space<vmem>> -> memref<80xi32, #tpu.memory_space<vmem>>
          %dma_wait3A_244 = arith.constant 0 : i32
          %dma_wait3A_245 = tpu.memref_slice %arg5[%arg0, %arg1, %add3A_233, %dma_wait3A_244] : memref<2x16x128x80xi32, #tpu.memory_space<hbm>> -> memref<1x1x1x80xi32, #tpu.memory_space<hbm>>
          %dma_wait3A_246 = tpu.memref_squeeze %dma_wait3A_245 : memref<1x1x1x80xi32, #tpu.memory_space<hbm>> -> memref<80xi32, #tpu.memory_space<hbm>>
          tpu.wait_dma2 semaphore(%arg13 : memref<!tpu.dma_semaphore, #tpu.memory_space<semaphore_mem>>) src(%dma_wait3A_246 : memref<80xi32, #tpu.memory_space<hbm>>) dst(%dma_wait3A_243 : memref<80xi32, #tpu.memory_space<vmem>>)
          %dma_start3A_247 = arith.constant 0 : i32
          %dma_start3A_248 = arith.constant 0 : i32
          %dma_start3A_249 = arith.constant 0 : i32
          %dma_start3A_250 = arith.constant 0 : i32
          %dma_start3A_251 = tpu.memref_slice %arg10[%dma_start3A_248, %dma_start3A_249, %dma_start3A_250] : memref<2x80x128xf32, #tpu.memory_space<vmem>> -> memref<1x80x128xf32, #tpu.memory_space<vmem>>
          %dma_start3A_252 = tpu.memref_squeeze %dma_start3A_251 : memref<1x80x128xf32, #tpu.memory_space<vmem>> -> memref<80x128xf32, #tpu.memory_space<vmem>>
          %dma_start3A_253 = arith.constant 0 : i32
          %dma_start3A_254 = tpu.memref_slice %arg8[%dma_start3A_247, %dma_start3A_253] : memref<2x80xi32, #tpu.memory_space<vmem>> -> memref<1x80xi32, #tpu.memory_space<vmem>>
          %dma_start3A_255 = tpu.memref_squeeze %dma_start3A_254 : memref<1x80xi32, #tpu.memory_space<vmem>> -> memref<80xi32, #tpu.memory_space<vmem>>
          %dma_start3A_256 = arith.constant 0 : i32
          %dma_start3A_257 = arith.constant 0 : i32
          %dma_start3A_258 = tpu.memref_slice %arg2[%dma_start3A_256, %dma_start3A_257] : memref<20480x128xf32, #tpu.memory_space<hbm>> -> memref<20480x128xf32, #tpu.memory_space<hbm>>
          tpu.enqueue_indirect_dma source(%dma_start3A_258 : memref<20480x128xf32, #tpu.memory_space<hbm>>) target(%dma_start3A_252 : memref<80x128xf32, #tpu.memory_space<vmem>>) offsets(%dma_start3A_255 : memref<80xi32, #tpu.memory_space<vmem>>) semaphore(%arg17 : memref<!tpu.dma_semaphore, #tpu.memory_space<semaphore_mem>>)
          %add3A_259 = arith.constant 1 : i32
          %add3A_260 = arith.addi %scan3A_121, %add3A_259 : i32
          %dma_start3A_261 = arith.constant 0 : i32
          %dma_start3A_262 = arith.constant 0 : i32
          %dma_start3A_263 = tpu.memref_slice %arg9[%dma_start3A_261, %dma_start3A_262] : memref<2x80xi32, #tpu.memory_space<vmem>> -> memref<1x80xi32, #tpu.memory_space<vmem>>
          %dma_start3A_264 = tpu.memref_squeeze %dma_start3A_263 : memref<1x80xi32, #tpu.memory_space<vmem>> -> memref<80xi32, #tpu.memory_space<vmem>>
          %dma_start3A_265 = arith.constant 0 : i32
          %dma_start3A_266 = tpu.memref_slice %arg6[%arg1, %add3A_260, %dma_start3A_265] : memref<16x128x80xi32, #tpu.memory_space<hbm>> -> memref<1x1x80xi32, #tpu.memory_space<hbm>>
          %dma_start3A_267 = tpu.memref_squeeze %dma_start3A_266 : memref<1x1x80xi32, #tpu.memory_space<hbm>> -> memref<80xi32, #tpu.memory_space<hbm>>
          %dma_start3A_268 = arith.constant 0 : i32
          %dma_start3A_269 = tpu.memref_slice %arg9[%dma_start3A_261, %dma_start3A_268] : memref<2x80xi32, #tpu.memory_space<vmem>> -> memref<1x80xi32, #tpu.memory_space<vmem>>
          %dma_start3A_270 = tpu.memref_squeeze %dma_start3A_269 : memref<1x80xi32, #tpu.memory_space<vmem>> -> memref<80xi32, #tpu.memory_space<vmem>>
          %dma_start3A_271 = arith.constant 0 : i32
          %dma_start3A_272 = tpu.memref_slice %arg6[%arg1, %add3A_260, %dma_start3A_271] : memref<16x128x80xi32, #tpu.memory_space<hbm>> -> memref<1x1x80xi32, #tpu.memory_space<hbm>>
          %dma_start3A_273 = tpu.memref_squeeze %dma_start3A_272 : memref<1x1x80xi32, #tpu.memory_space<hbm>> -> memref<80xi32, #tpu.memory_space<hbm>>
          tpu.enqueue_dma source(%dma_start3A_273 : memref<80xi32, #tpu.memory_space<hbm>>) target(%dma_start3A_270 : memref<80xi32, #tpu.memory_space<vmem>>) target_semaphore(%arg15 : memref<!tpu.dma_semaphore, #tpu.memory_space<semaphore_mem>>)
        } else {
        }
        %dma_wait3A_136 = arith.constant 1 : i32
        %dma_wait3A_137 = arith.constant 1 : i32
        %dma_wait3A_138 = arith.constant 0 : i32
        %dma_wait3A_139 = arith.constant 0 : i32
        %dma_wait3A_140 = tpu.memref_slice %arg10[%dma_wait3A_137, %dma_wait3A_138, %dma_wait3A_139] : memref<2x80x128xf32, #tpu.memory_space<vmem>> -> memref<1x80x128xf32, #tpu.memory_space<vmem>>
        %dma_wait3A_141 = tpu.memref_squeeze %dma_wait3A_140 : memref<1x80x128xf32, #tpu.memory_space<vmem>> -> memref<80x128xf32, #tpu.memory_space<vmem>>
        %dma_wait3A_142 = arith.constant 0 : i32
        %dma_wait3A_143 = tpu.memref_slice %arg8[%dma_wait3A_136, %dma_wait3A_142] : memref<2x80xi32, #tpu.memory_space<vmem>> -> memref<1x80xi32, #tpu.memory_space<vmem>>
        %dma_wait3A_144 = tpu.memref_squeeze %dma_wait3A_143 : memref<1x80xi32, #tpu.memory_space<vmem>> -> memref<80xi32, #tpu.memory_space<vmem>>
        %dma_wait3A_145 = arith.constant 0 : i32
        %dma_wait3A_146 = arith.constant 0 : i32
        %dma_wait3A_147 = tpu.memref_slice %arg2[%dma_wait3A_145, %dma_wait3A_146] : memref<20480x128xf32, #tpu.memory_space<hbm>> -> memref<20480x128xf32, #tpu.memory_space<hbm>>
        tpu.wait_indirect_dma semaphore(%arg18 : memref<!tpu.dma_semaphore, #tpu.memory_space<semaphore_mem>>) src(%dma_wait3A_147 : memref<20480x128xf32, #tpu.memory_space<hbm>>) dst(%dma_wait3A_141 : memref<80x128xf32, #tpu.memory_space<vmem>>)
        %add3A_148 = arith.constant 2 : i32
        %add3A_149 = arith.addi %scan3A_121, %add3A_148 : i32
        %lt3A_150 = arith.constant 128 : i32
        %lt3A_151 = arith.cmpi slt, %add3A_149, %lt3A_150 : i32
        %convert_element_type3A_152 = arith.extui %lt3A_151 : i1 to i32
        %cond3A_153 = arith.constant 0 : i32
        %cond3A_154 = arith.cmpi ne, %convert_element_type3A_152, %cond3A_153 : i32
        scf.if %cond3A_154 {
          %add3A_206 = arith.constant 2 : i32
          %add3A_207 = arith.addi %scan3A_121, %add3A_206 : i32
          %dma_start3A_208 = arith.constant 1 : i32
          %dma_start3A_209 = arith.constant 0 : i32
          %dma_start3A_210 = tpu.memref_slice %arg8[%dma_start3A_208, %dma_start3A_209] : memref<2x80xi32, #tpu.memory_space<vmem>> -> memref<1x80xi32, #tpu.memory_space<vmem>>
          %dma_start3A_211 = tpu.memref_squeeze %dma_start3A_210 : memref<1x80xi32, #tpu.memory_space<vmem>> -> memref<80xi32, #tpu.memory_space<vmem>>
          %dma_start3A_212 = arith.constant 0 : i32
          %dma_start3A_213 = tpu.memref_slice %arg5[%arg0, %arg1, %add3A_207, %dma_start3A_212] : memref<2x16x128x80xi32, #tpu.memory_space<hbm>> -> memref<1x1x1x80xi32, #tpu.memory_space<hbm>>
          %dma_start3A_214 = tpu.memref_squeeze %dma_start3A_213 : memref<1x1x1x80xi32, #tpu.memory_space<hbm>> -> memref<80xi32, #tpu.memory_space<hbm>>
          %dma_start3A_215 = arith.constant 0 : i32
          %dma_start3A_216 = tpu.memref_slice %arg8[%dma_start3A_208, %dma_start3A_215] : memref<2x80xi32, #tpu.memory_space<vmem>> -> memref<1x80xi32, #tpu.memory_space<vmem>>
          %dma_start3A_217 = tpu.memref_squeeze %dma_start3A_216 : memref<1x80xi32, #tpu.memory_space<vmem>> -> memref<80xi32, #tpu.memory_space<vmem>>
          %dma_start3A_218 = arith.constant 0 : i32
          %dma_start3A_219 = tpu.memref_slice %arg5[%arg0, %arg1, %add3A_207, %dma_start3A_218] : memref<2x16x128x80xi32, #tpu.memory_space<hbm>> -> memref<1x1x1x80xi32, #tpu.memory_space<hbm>>
          %dma_start3A_220 = tpu.memref_squeeze %dma_start3A_219 : memref<1x1x1x80xi32, #tpu.memory_space<hbm>> -> memref<80xi32, #tpu.memory_space<hbm>>
          tpu.enqueue_dma source(%dma_start3A_220 : memref<80xi32, #tpu.memory_space<hbm>>) target(%dma_start3A_217 : memref<80xi32, #tpu.memory_space<vmem>>) target_semaphore(%arg14 : memref<!tpu.dma_semaphore, #tpu.memory_space<semaphore_mem>>)
        } else {
        }
        %mul3A_155 = arith.constant 10240 : i32
        %mul3A_156 = arith.muli %arg1, %mul3A_155 : i32
        %mul3A_157 = arith.constant 80 : i32
        %mul3A_158 = arith.muli %scan3A_121, %mul3A_157 : i32
        %add3A_159 = arith.addi %mul3A_156, %mul3A_158 : i32
        %dma_wait3A_160 = arith.constant 1 : i32
        %dma_wait3A_161 = arith.constant 0 : i32
        %dma_wait3A_162 = arith.constant 0 : i32
        %dma_wait3A_163 = tpu.memref_slice %arg11[%dma_wait3A_160, %dma_wait3A_161, %dma_wait3A_162] : memref<2x80x128xf32, #tpu.memory_space<vmem>> -> memref<1x80x128xf32, #tpu.memory_space<vmem>>
        %dma_wait3A_164 = tpu.memref_squeeze %dma_wait3A_163 : memref<1x80x128xf32, #tpu.memory_space<vmem>> -> memref<80x128xf32, #tpu.memory_space<vmem>>
        %dma_wait3A_165 = arith.constant 0 : i32
        %dma_wait3A_166 = tpu.memref_slice %arg3[%arg0, %add3A_159, %dma_wait3A_165] : memref<2x163840x128xf32, #tpu.memory_space<hbm>> -> memref<1x80x128xf32, #tpu.memory_space<hbm>>
        %dma_wait3A_167 = tpu.memref_squeeze %dma_wait3A_166 : memref<1x80x128xf32, #tpu.memory_space<hbm>> -> memref<80x128xf32, #tpu.memory_space<hbm>>
        %dma_wait3A_168 = arith.constant 0 : i32
        %dma_wait3A_169 = arith.constant 0 : i32
        %dma_wait3A_170 = tpu.memref_slice %arg11[%dma_wait3A_160, %dma_wait3A_168, %dma_wait3A_169] : memref<2x80x128xf32, #tpu.memory_space<vmem>> -> memref<1x80x128xf32, #tpu.memory_space<vmem>>
        %dma_wait3A_171 = tpu.memref_squeeze %dma_wait3A_170 : memref<1x80x128xf32, #tpu.memory_space<vmem>> -> memref<80x128xf32, #tpu.memory_space<vmem>>
        %dma_wait3A_172 = arith.constant 0 : i32
        %dma_wait3A_173 = tpu.memref_slice %arg3[%arg0, %add3A_159, %dma_wait3A_172] : memref<2x163840x128xf32, #tpu.memory_space<hbm>> -> memref<1x80x128xf32, #tpu.memory_space<hbm>>
        %dma_wait3A_174 = tpu.memref_squeeze %dma_wait3A_173 : memref<1x80x128xf32, #tpu.memory_space<hbm>> -> memref<80x128xf32, #tpu.memory_space<hbm>>
        tpu.wait_dma2 semaphore(%arg20 : memref<!tpu.dma_semaphore, #tpu.memory_space<semaphore_mem>>) src(%dma_wait3A_174 : memref<80x128xf32, #tpu.memory_space<hbm>>) dst(%dma_wait3A_171 : memref<80x128xf32, #tpu.memory_space<vmem>>)
        %scan3A_175 = arith.constant 0 : i32
        %scan3A_176 = arith.constant 0 : i32
        %scan3A_177 = arith.constant 80 : i32
        %scan3A_178 = arith.addi %scan3A_176, %scan3A_177 : i32
        %scan3A_179 = arith.constant 1 : i32
        scf.for %scan3A_206 = %scan3A_176 to %scan3A_178 step %scan3A_179  : i32 {
          %get3A = arith.constant 1 : i32
          %get3A_207 = arith.index_cast %get3A : i32 to index
          %get3A_208 = arith.index_cast %scan3A_206 : i32 to index
          %get3A_209 = arith.constant 0 : index
          %get3A_210 = tpu.vector_load %arg10[%get3A_207, %get3A_208, %get3A_209] {strides = array<i32>} : memref<2x80x128xf32, #tpu.memory_space<vmem>>, vector<1x1x16xf32>,
          %get3A_211 = vector.shape_cast %get3A_210 : vector<1x1x16xf32> to vector<16xf32>
          %get3A_212 = arith.constant 1 : i32
          %get3A_213 = arith.index_cast %get3A_212 : i32 to index
          %get3A_214 = arith.index_cast %scan3A_206 : i32 to index
          %get3A_215 = arith.constant 0 : index
          %get3A_216 = tpu.vector_load %arg11[%get3A_213, %get3A_214, %get3A_215] {strides = array<i32>} : memref<2x80x128xf32, #tpu.memory_space<vmem>>, vector<1x1x16xf32>,
          %get3A_217 = vector.shape_cast %get3A_216 : vector<1x1x16xf32> to vector<16xf32>
          %mul3A_218 = arith.mulf %get3A_211, %get3A_217 : vector<16xf32>
          %swap3A = arith.constant 1 : i32
          %swap3A_219 = arith.index_cast %swap3A : i32 to index
          %swap3A_220 = arith.index_cast %scan3A_206 : i32 to index
          %swap3A_221 = arith.constant 0 : index
          %swap3A_222 = tpu.vector_load %arg10[%swap3A_219, %swap3A_220, %swap3A_221] {strides = array<i32>} : memref<2x80x128xf32, #tpu.memory_space<vmem>>, vector<1x1x16xf32>,
          %swap3A_223 = vector.shape_cast %swap3A_222 : vector<1x1x16xf32> to vector<16xf32>
          %swap3A_224 = vector.shape_cast %mul3A_218 : vector<16xf32> to vector<1x1x16xf32>
          tpu.vector_store %arg10[%swap3A_219, %swap3A_220, %swap3A_221], %swap3A_224 {strides = array<i32>} : memref<2x80x128xf32, #tpu.memory_space<vmem>>, vector<1x1x16xf32>,
          %get3A_225 = arith.constant 1 : i32
          %get3A_226 = arith.index_cast %get3A_225 : i32 to index
          %get3A_227 = arith.index_cast %scan3A_206 : i32 to index
          %get3A_228 = arith.constant 16 : index
          %get3A_229 = tpu.vector_load %arg10[%get3A_226, %get3A_227, %get3A_228] {strides = array<i32>} : memref<2x80x128xf32, #tpu.memory_space<vmem>>, vector<1x1x16xf32>,
          %get3A_230 = vector.shape_cast %get3A_229 : vector<1x1x16xf32> to vector<16xf32>
          %get3A_231 = arith.constant 1 : i32
          %get3A_232 = arith.index_cast %get3A_231 : i32 to index
          %get3A_233 = arith.index_cast %scan3A_206 : i32 to index
          %get3A_234 = arith.constant 16 : index
          %get3A_235 = tpu.vector_load %arg11[%get3A_232, %get3A_233, %get3A_234] {strides = array<i32>} : memref<2x80x128xf32, #tpu.memory_space<vmem>>, vector<1x1x16xf32>,
          %get3A_236 = vector.shape_cast %get3A_235 : vector<1x1x16xf32> to vector<16xf32>
          %mul3A_237 = arith.mulf %get3A_230, %get3A_236 : vector<16xf32>
          %swap3A_238 = arith.constant 1 : i32
          %swap3A_239 = arith.index_cast %swap3A_238 : i32 to index
          %swap3A_240 = arith.index_cast %scan3A_206 : i32 to index
          %swap3A_241 = arith.constant 16 : index
          %swap3A_242 = tpu.vector_load %arg10[%swap3A_239, %swap3A_240, %swap3A_241] {strides = array<i32>} : memref<2x80x128xf32, #tpu.memory_space<vmem>>, vector<1x1x16xf32>,
          %swap3A_243 = vector.shape_cast %swap3A_242 : vector<1x1x16xf32> to vector<16xf32>
          %swap3A_244 = vector.shape_cast %mul3A_237 : vector<16xf32> to vector<1x1x16xf32>
          tpu.vector_store %arg10[%swap3A_239, %swap3A_240, %swap3A_241], %swap3A_244 {strides = array<i32>} : memref<2x80x128xf32, #tpu.memory_space<vmem>>, vector<1x1x16xf32>,
          %get3A_245 = arith.constant 1 : i32
          %get3A_246 = arith.index_cast %get3A_245 : i32 to index
          %get3A_247 = arith.index_cast %scan3A_206 : i32 to index
          %get3A_248 = arith.constant 32 : index
          %get3A_249 = tpu.vector_load %arg10[%get3A_246, %get3A_247, %get3A_248] {strides = array<i32>} : memref<2x80x128xf32, #tpu.memory_space<vmem>>, vector<1x1x16xf32>,
          %get3A_250 = vector.shape_cast %get3A_249 : vector<1x1x16xf32> to vector<16xf32>
          %get3A_251 = arith.constant 1 : i32
          %get3A_252 = arith.index_cast %get3A_251 : i32 to index
          %get3A_253 = arith.index_cast %scan3A_206 : i32 to index
          %get3A_254 = arith.constant 32 : index
          %get3A_255 = tpu.vector_load %arg11[%get3A_252, %get3A_253, %get3A_254] {strides = array<i32>} : memref<2x80x128xf32, #tpu.memory_space<vmem>>, vector<1x1x16xf32>,
          %get3A_256 = vector.shape_cast %get3A_255 : vector<1x1x16xf32> to vector<16xf32>
          %mul3A_257 = arith.mulf %get3A_250, %get3A_256 : vector<16xf32>
          %swap3A_258 = arith.constant 1 : i32
          %swap3A_259 = arith.index_cast %swap3A_258 : i32 to index
          %swap3A_260 = arith.index_cast %scan3A_206 : i32 to index
          %swap3A_261 = arith.constant 32 : index
          %swap3A_262 = tpu.vector_load %arg10[%swap3A_259, %swap3A_260, %swap3A_261] {strides = array<i32>} : memref<2x80x128xf32, #tpu.memory_space<vmem>>, vector<1x1x16xf32>,
          %swap3A_263 = vector.shape_cast %swap3A_262 : vector<1x1x16xf32> to vector<16xf32>
          %swap3A_264 = vector.shape_cast %mul3A_257 : vector<16xf32> to vector<1x1x16xf32>
          tpu.vector_store %arg10[%swap3A_259, %swap3A_260, %swap3A_261], %swap3A_264 {strides = array<i32>} : memref<2x80x128xf32, #tpu.memory_space<vmem>>, vector<1x1x16xf32>,
          %get3A_265 = arith.constant 1 : i32
          %get3A_266 = arith.index_cast %get3A_265 : i32 to index
          %get3A_267 = arith.index_cast %scan3A_206 : i32 to index
          %get3A_268 = arith.constant 48 : index
          %get3A_269 = tpu.vector_load %arg10[%get3A_266, %get3A_267, %get3A_268] {strides = array<i32>} : memref<2x80x128xf32, #tpu.memory_space<vmem>>, vector<1x1x16xf32>,
          %get3A_270 = vector.shape_cast %get3A_269 : vector<1x1x16xf32> to vector<16xf32>
          %get3A_271 = arith.constant 1 : i32
          %get3A_272 = arith.index_cast %get3A_271 : i32 to index
          %get3A_273 = arith.index_cast %scan3A_206 : i32 to index
          %get3A_274 = arith.constant 48 : index
          %get3A_275 = tpu.vector_load %arg11[%get3A_272, %get3A_273, %get3A_274] {strides = array<i32>} : memref<2x80x128xf32, #tpu.memory_space<vmem>>, vector<1x1x16xf32>,
          %get3A_276 = vector.shape_cast %get3A_275 : vector<1x1x16xf32> to vector<16xf32>
          %mul3A_277 = arith.mulf %get3A_270, %get3A_276 : vector<16xf32>
          %swap3A_278 = arith.constant 1 : i32
          %swap3A_279 = arith.index_cast %swap3A_278 : i32 to index
          %swap3A_280 = arith.index_cast %scan3A_206 : i32 to index
          %swap3A_281 = arith.constant 48 : index
          %swap3A_282 = tpu.vector_load %arg10[%swap3A_279, %swap3A_280, %swap3A_281] {strides = array<i32>} : memref<2x80x128xf32, #tpu.memory_space<vmem>>, vector<1x1x16xf32>,
          %swap3A_283 = vector.shape_cast %swap3A_282 : vector<1x1x16xf32> to vector<16xf32>
          %swap3A_284 = vector.shape_cast %mul3A_277 : vector<16xf32> to vector<1x1x16xf32>
          tpu.vector_store %arg10[%swap3A_279, %swap3A_280, %swap3A_281], %swap3A_284 {strides = array<i32>} : memref<2x80x128xf32, #tpu.memory_space<vmem>>, vector<1x1x16xf32>,
          %get3A_285 = arith.constant 1 : i32
          %get3A_286 = arith.index_cast %get3A_285 : i32 to index
          %get3A_287 = arith.index_cast %scan3A_206 : i32 to index
          %get3A_288 = arith.constant 64 : index
          %get3A_289 = tpu.vector_load %arg10[%get3A_286, %get3A_287, %get3A_288] {strides = array<i32>} : memref<2x80x128xf32, #tpu.memory_space<vmem>>, vector<1x1x16xf32>,
          %get3A_290 = vector.shape_cast %get3A_289 : vector<1x1x16xf32> to vector<16xf32>
          %get3A_291 = arith.constant 1 : i32
          %get3A_292 = arith.index_cast %get3A_291 : i32 to index
          %get3A_293 = arith.index_cast %scan3A_206 : i32 to index
          %get3A_294 = arith.constant 64 : index
          %get3A_295 = tpu.vector_load %arg11[%get3A_292, %get3A_293, %get3A_294] {strides = array<i32>} : memref<2x80x128xf32, #tpu.memory_space<vmem>>, vector<1x1x16xf32>,
          %get3A_296 = vector.shape_cast %get3A_295 : vector<1x1x16xf32> to vector<16xf32>
          %mul3A_297 = arith.mulf %get3A_290, %get3A_296 : vector<16xf32>
          %swap3A_298 = arith.constant 1 : i32
          %swap3A_299 = arith.index_cast %swap3A_298 : i32 to index
          %swap3A_300 = arith.index_cast %scan3A_206 : i32 to index
          %swap3A_301 = arith.constant 64 : index
          %swap3A_302 = tpu.vector_load %arg10[%swap3A_299, %swap3A_300, %swap3A_301] {strides = array<i32>} : memref<2x80x128xf32, #tpu.memory_space<vmem>>, vector<1x1x16xf32>,
          %swap3A_303 = vector.shape_cast %swap3A_302 : vector<1x1x16xf32> to vector<16xf32>
          %swap3A_304 = vector.shape_cast %mul3A_297 : vector<16xf32> to vector<1x1x16xf32>
          tpu.vector_store %arg10[%swap3A_299, %swap3A_300, %swap3A_301], %swap3A_304 {strides = array<i32>} : memref<2x80x128xf32, #tpu.memory_space<vmem>>, vector<1x1x16xf32>,
          %get3A_305 = arith.constant 1 : i32
          %get3A_306 = arith.index_cast %get3A_305 : i32 to index
          %get3A_307 = arith.index_cast %scan3A_206 : i32 to index
          %get3A_308 = arith.constant 80 : index
          %get3A_309 = tpu.vector_load %arg10[%get3A_306, %get3A_307, %get3A_308] {strides = array<i32>} : memref<2x80x128xf32, #tpu.memory_space<vmem>>, vector<1x1x16xf32>,
          %get3A_310 = vector.shape_cast %get3A_309 : vector<1x1x16xf32> to vector<16xf32>
          %get3A_311 = arith.constant 1 : i32
          %get3A_312 = arith.index_cast %get3A_311 : i32 to index
          %get3A_313 = arith.index_cast %scan3A_206 : i32 to index
          %get3A_314 = arith.constant 80 : index
          %get3A_315 = tpu.vector_load %arg11[%get3A_312, %get3A_313, %get3A_314] {strides = array<i32>} : memref<2x80x128xf32, #tpu.memory_space<vmem>>, vector<1x1x16xf32>,
          %get3A_316 = vector.shape_cast %get3A_315 : vector<1x1x16xf32> to vector<16xf32>
          %mul3A_317 = arith.mulf %get3A_310, %get3A_316 : vector<16xf32>
          %swap3A_318 = arith.constant 1 : i32
          %swap3A_319 = arith.index_cast %swap3A_318 : i32 to index
          %swap3A_320 = arith.index_cast %scan3A_206 : i32 to index
          %swap3A_321 = arith.constant 80 : index
          %swap3A_322 = tpu.vector_load %arg10[%swap3A_319, %swap3A_320, %swap3A_321] {strides = array<i32>} : memref<2x80x128xf32, #tpu.memory_space<vmem>>, vector<1x1x16xf32>,
          %swap3A_323 = vector.shape_cast %swap3A_322 : vector<1x1x16xf32> to vector<16xf32>
          %swap3A_324 = vector.shape_cast %mul3A_317 : vector<16xf32> to vector<1x1x16xf32>
          tpu.vector_store %arg10[%swap3A_319, %swap3A_320, %swap3A_321], %swap3A_324 {strides = array<i32>} : memref<2x80x128xf32, #tpu.memory_space<vmem>>, vector<1x1x16xf32>,
          %get3A_325 = arith.constant 1 : i32
          %get3A_326 = arith.index_cast %get3A_325 : i32 to index
          %get3A_327 = arith.index_cast %scan3A_206 : i32 to index
          %get3A_328 = arith.constant 96 : index
          %get3A_329 = tpu.vector_load %arg10[%get3A_326, %get3A_327, %get3A_328] {strides = array<i32>} : memref<2x80x128xf32, #tpu.memory_space<vmem>>, vector<1x1x16xf32>,
          %get3A_330 = vector.shape_cast %get3A_329 : vector<1x1x16xf32> to vector<16xf32>
          %get3A_331 = arith.constant 1 : i32
          %get3A_332 = arith.index_cast %get3A_331 : i32 to index
          %get3A_333 = arith.index_cast %scan3A_206 : i32 to index
          %get3A_334 = arith.constant 96 : index
          %get3A_335 = tpu.vector_load %arg11[%get3A_332, %get3A_333, %get3A_334] {strides = array<i32>} : memref<2x80x128xf32, #tpu.memory_space<vmem>>, vector<1x1x16xf32>,
          %get3A_336 = vector.shape_cast %get3A_335 : vector<1x1x16xf32> to vector<16xf32>
          %mul3A_337 = arith.mulf %get3A_330, %get3A_336 : vector<16xf32>
          %swap3A_338 = arith.constant 1 : i32
          %swap3A_339 = arith.index_cast %swap3A_338 : i32 to index
          %swap3A_340 = arith.index_cast %scan3A_206 : i32 to index
          %swap3A_341 = arith.constant 96 : index
          %swap3A_342 = tpu.vector_load %arg10[%swap3A_339, %swap3A_340, %swap3A_341] {strides = array<i32>} : memref<2x80x128xf32, #tpu.memory_space<vmem>>, vector<1x1x16xf32>,
          %swap3A_343 = vector.shape_cast %swap3A_342 : vector<1x1x16xf32> to vector<16xf32>
          %swap3A_344 = vector.shape_cast %mul3A_337 : vector<16xf32> to vector<1x1x16xf32>
          tpu.vector_store %arg10[%swap3A_339, %swap3A_340, %swap3A_341], %swap3A_344 {strides = array<i32>} : memref<2x80x128xf32, #tpu.memory_space<vmem>>, vector<1x1x16xf32>,
          %get3A_345 = arith.constant 1 : i32
          %get3A_346 = arith.index_cast %get3A_345 : i32 to index
          %get3A_347 = arith.index_cast %scan3A_206 : i32 to index
          %get3A_348 = arith.constant 112 : index
          %get3A_349 = tpu.vector_load %arg10[%get3A_346, %get3A_347, %get3A_348] {strides = array<i32>} : memref<2x80x128xf32, #tpu.memory_space<vmem>>, vector<1x1x16xf32>,
          %get3A_350 = vector.shape_cast %get3A_349 : vector<1x1x16xf32> to vector<16xf32>
          %get3A_351 = arith.constant 1 : i32
          %get3A_352 = arith.index_cast %get3A_351 : i32 to index
          %get3A_353 = arith.index_cast %scan3A_206 : i32 to index
          %get3A_354 = arith.constant 112 : index
          %get3A_355 = tpu.vector_load %arg11[%get3A_352, %get3A_353, %get3A_354] {strides = array<i32>} : memref<2x80x128xf32, #tpu.memory_space<vmem>>, vector<1x1x16xf32>,
          %get3A_356 = vector.shape_cast %get3A_355 : vector<1x1x16xf32> to vector<16xf32>
          %mul3A_357 = arith.mulf %get3A_350, %get3A_356 : vector<16xf32>
          %swap3A_358 = arith.constant 1 : i32
          %swap3A_359 = arith.index_cast %swap3A_358 : i32 to index
          %swap3A_360 = arith.index_cast %scan3A_206 : i32 to index
          %swap3A_361 = arith.constant 112 : index
          %swap3A_362 = tpu.vector_load %arg10[%swap3A_359, %swap3A_360, %swap3A_361] {strides = array<i32>} : memref<2x80x128xf32, #tpu.memory_space<vmem>>, vector<1x1x16xf32>,
          %swap3A_363 = vector.shape_cast %swap3A_362 : vector<1x1x16xf32> to vector<16xf32>
          %swap3A_364 = vector.shape_cast %mul3A_357 : vector<16xf32> to vector<1x1x16xf32>
          tpu.vector_store %arg10[%swap3A_359, %swap3A_360, %swap3A_361], %swap3A_364 {strides = array<i32>} : memref<2x80x128xf32, #tpu.memory_space<vmem>>, vector<1x1x16xf32>,
        }
        %scan3A_180 = arith.constant 80 : i32
        %dma_wait3A_181 = arith.constant 1 : i32
        %dma_wait3A_182 = arith.constant 0 : i32
        %dma_wait3A_183 = tpu.memref_slice %arg9[%dma_wait3A_181, %dma_wait3A_182] : memref<2x80xi32, #tpu.memory_space<vmem>> -> memref<1x80xi32, #tpu.memory_space<vmem>>
        %dma_wait3A_184 = tpu.memref_squeeze %dma_wait3A_183 : memref<1x80xi32, #tpu.memory_space<vmem>> -> memref<80xi32, #tpu.memory_space<vmem>>
        %dma_wait3A_185 = arith.constant 0 : i32
        %dma_wait3A_186 = tpu.memref_slice %arg6[%arg1, %scan3A_121, %dma_wait3A_185] : memref<16x128x80xi32, #tpu.memory_space<hbm>> -> memref<1x1x80xi32, #tpu.memory_space<hbm>>
        %dma_wait3A_187 = tpu.memref_squeeze %dma_wait3A_186 : memref<1x1x80xi32, #tpu.memory_space<hbm>> -> memref<80xi32, #tpu.memory_space<hbm>>
        %dma_wait3A_188 = arith.constant 0 : i32
        %dma_wait3A_189 = tpu.memref_slice %arg9[%dma_wait3A_181, %dma_wait3A_188] : memref<2x80xi32, #tpu.memory_space<vmem>> -> memref<1x80xi32, #tpu.memory_space<vmem>>
        %dma_wait3A_190 = tpu.memref_squeeze %dma_wait3A_189 : memref<1x80xi32, #tpu.memory_space<vmem>> -> memref<80xi32, #tpu.memory_space<vmem>>
        %dma_wait3A_191 = arith.constant 0 : i32
        %dma_wait3A_192 = tpu.memref_slice %arg6[%arg1, %scan3A_121, %dma_wait3A_191] : memref<16x128x80xi32, #tpu.memory_space<hbm>> -> memref<1x1x80xi32, #tpu.memory_space<hbm>>
        %dma_wait3A_193 = tpu.memref_squeeze %dma_wait3A_192 : memref<1x1x80xi32, #tpu.memory_space<hbm>> -> memref<80xi32, #tpu.memory_space<hbm>>
        tpu.wait_dma2 semaphore(%arg16 : memref<!tpu.dma_semaphore, #tpu.memory_space<semaphore_mem>>) src(%dma_wait3A_193 : memref<80xi32, #tpu.memory_space<hbm>>) dst(%dma_wait3A_190 : memref<80xi32, #tpu.memory_space<vmem>>)
        %dma_start3A_194 = arith.constant 1 : i32
        %dma_start3A_195 = arith.constant 1 : i32
        %dma_start3A_196 = arith.constant 0 : i32
        %dma_start3A_197 = arith.constant 0 : i32
        %dma_start3A_198 = tpu.memref_slice %arg10[%dma_start3A_194, %dma_start3A_196, %dma_start3A_197] : memref<2x80x128xf32, #tpu.memory_space<vmem>> -> memref<1x80x128xf32, #tpu.memory_space<vmem>>
        %dma_start3A_199 = tpu.memref_squeeze %dma_start3A_198 : memref<1x80x128xf32, #tpu.memory_space<vmem>> -> memref<80x128xf32, #tpu.memory_space<vmem>>
        %dma_start3A_200 = arith.constant 0 : i32
        %dma_start3A_201 = tpu.memref_slice %arg9[%dma_start3A_195, %dma_start3A_200] : memref<2x80xi32, #tpu.memory_space<vmem>> -> memref<1x80xi32, #tpu.memory_space<vmem>>
        %dma_start3A_202 = tpu.memref_squeeze %dma_start3A_201 : memref<1x80xi32, #tpu.memory_space<vmem>> -> memref<80xi32, #tpu.memory_space<vmem>>
        %dma_start3A_203 = arith.constant 0 : i32
        %dma_start3A_204 = arith.constant 0 : i32
        %dma_start3A_205 = tpu.memref_slice %arg12[%dma_start3A_203, %dma_start3A_204] : memref<10240x128xf32, #tpu.memory_space<vmem_shared>> -> memref<10240x128xf32, #tpu.memory_space<vmem_shared>>
        tpu.enqueue_indirect_dma source(%dma_start3A_199 : memref<80x128xf32, #tpu.memory_space<vmem>>) target(%dma_start3A_205 : memref<10240x128xf32, #tpu.memory_space<vmem_shared>>) offsets(%dma_start3A_202 : memref<80xi32, #tpu.memory_space<vmem>>) semaphore(%arg22 : memref<!tpu.dma_semaphore, #tpu.memory_space<semaphore_mem>>) {add = true}
      } else {
      }
    }
    %scan3A_91 = arith.constant 128 : i32
    %dma_wait3A_92 = arith.constant 0 : i32
    %dma_wait3A_93 = arith.constant 0 : i32
    %dma_wait3A_94 = arith.constant 0 : i32
    %dma_wait3A_95 = arith.constant 0 : i32
    %dma_wait3A_96 = tpu.memref_slice %arg10[%dma_wait3A_92, %dma_wait3A_94, %dma_wait3A_95] : memref<2x80x128xf32, #tpu.memory_space<vmem>> -> memref<1x80x128xf32, #tpu.memory_space<vmem>>
    %dma_wait3A_97 = tpu.memref_squeeze %dma_wait3A_96 : memref<1x80x128xf32, #tpu.memory_space<vmem>> -> memref<80x128xf32, #tpu.memory_space<vmem>>
    %dma_wait3A_98 = arith.constant 0 : i32
    %dma_wait3A_99 = tpu.memref_slice %arg9[%dma_wait3A_93, %dma_wait3A_98] : memref<2x80xi32, #tpu.memory_space<vmem>> -> memref<1x80xi32, #tpu.memory_space<vmem>>
    %dma_wait3A_100 = tpu.memref_squeeze %dma_wait3A_99 : memref<1x80xi32, #tpu.memory_space<vmem>> -> memref<80xi32, #tpu.memory_space<vmem>>
    %dma_wait3A_101 = arith.constant 0 : i32
    %dma_wait3A_102 = arith.constant 0 : i32
    %dma_wait3A_103 = tpu.memref_slice %arg12[%dma_wait3A_101, %dma_wait3A_102] : memref<10240x128xf32, #tpu.memory_space<vmem_shared>> -> memref<10240x128xf32, #tpu.memory_space<vmem_shared>>
    tpu.wait_indirect_dma semaphore(%arg21 : memref<!tpu.dma_semaphore, #tpu.memory_space<semaphore_mem>>) src(%dma_wait3A_97 : memref<80x128xf32, #tpu.memory_space<vmem>>) dst(%dma_wait3A_103 : memref<10240x128xf32, #tpu.memory_space<vmem_shared>>)
    %dma_wait3A_104 = arith.constant 1 : i32
    %dma_wait3A_105 = arith.constant 1 : i32
    %dma_wait3A_106 = arith.constant 0 : i32
    %dma_wait3A_107 = arith.constant 0 : i32
    %dma_wait3A_108 = tpu.memref_slice %arg10[%dma_wait3A_104, %dma_wait3A_106, %dma_wait3A_107] : memref<2x80x128xf32, #tpu.memory_space<vmem>> -> memref<1x80x128xf32, #tpu.memory_space<vmem>>
    %dma_wait3A_109 = tpu.memref_squeeze %dma_wait3A_108 : memref<1x80x128xf32, #tpu.memory_space<vmem>> -> memref<80x128xf32, #tpu.memory_space<vmem>>
    %dma_wait3A_110 = arith.constant 0 : i32
    %dma_wait3A_111 = tpu.memref_slice %arg9[%dma_wait3A_105, %dma_wait3A_110] : memref<2x80xi32, #tpu.memory_space<vmem>> -> memref<1x80xi32, #tpu.memory_space<vmem>>
    %dma_wait3A_112 = tpu.memref_squeeze %dma_wait3A_111 : memref<1x80xi32, #tpu.memory_space<vmem>> -> memref<80xi32, #tpu.memory_space<vmem>>
    %dma_wait3A_113 = arith.constant 0 : i32
    %dma_wait3A_114 = arith.constant 0 : i32
    %dma_wait3A_115 = tpu.memref_slice %arg12[%dma_wait3A_113, %dma_wait3A_114] : memref<10240x128xf32, #tpu.memory_space<vmem_shared>> -> memref<10240x128xf32, #tpu.memory_space<vmem_shared>>
    tpu.wait_indirect_dma semaphore(%arg22 : memref<!tpu.dma_semaphore, #tpu.memory_space<semaphore_mem>>) src(%dma_wait3A_109 : memref<80x128xf32, #tpu.memory_space<vmem>>) dst(%dma_wait3A_115 : memref<10240x128xf32, #tpu.memory_space<vmem_shared>>)
    %barrier3A_116 = arith.constant 0 : index
    tpu.barrier barrier_id(%barrier3A_116)
    %mul3A_117 = arith.constant 640 : i32
    %mul3A_118 = arith.muli %arg1, %mul3A_117 : i32
    %mul3A_119 = arith.constant 640 : i32
    %mul3A_120 = arith.muli %arg1, %mul3A_119 : i32
    "tpu.region"() ({
      %run_scoped3A = tpu.sem_alloc : memref<!tpu.dma_semaphore, #tpu.memory_space<semaphore_mem>>
      %dma_start3A_121 = arith.constant 0 : i32
      %dma_start3A_122 = tpu.memref_slice %arg7[%arg0, %mul3A_120, %dma_start3A_121] : memref<2x10240x128xf32, #tpu.memory_space<hbm>> -> memref<1x640x128xf32, #tpu.memory_space<hbm>>
      %dma_start3A_123 = tpu.memref_squeeze %dma_start3A_122 : memref<1x640x128xf32, #tpu.memory_space<hbm>> -> memref<640x128xf32, #tpu.memory_space<hbm>>
      %dma_start3A_124 = arith.constant 0 : i32
      %dma_start3A_125 = tpu.memref_slice %arg12[%mul3A_118, %dma_start3A_124] : memref<10240x128xf32, #tpu.memory_space<vmem_shared>> -> memref<640x128xf32, #tpu.memory_space<vmem_shared>>
      tpu.enqueue_dma source(%dma_start3A_125 : memref<640x128xf32, #tpu.memory_space<vmem_shared>>) target(%dma_start3A_123 : memref<640x128xf32, #tpu.memory_space<hbm>>) target_semaphore(%run_scoped3A : memref<!tpu.dma_semaphore, #tpu.memory_space<semaphore_mem>>)
      %dma_wait3A_126 = arith.constant 0 : i32
      %dma_wait3A_127 = tpu.memref_slice %arg7[%arg0, %mul3A_120, %dma_wait3A_126] : memref<2x10240x128xf32, #tpu.memory_space<hbm>> -> memref<1x640x128xf32, #tpu.memory_space<hbm>>
      %dma_wait3A_128 = tpu.memref_squeeze %dma_wait3A_127 : memref<1x640x128xf32, #tpu.memory_space<hbm>> -> memref<640x128xf32, #tpu.memory_space<hbm>>
      %dma_wait3A_129 = arith.constant 0 : i32
      %dma_wait3A_130 = tpu.memref_slice %arg12[%mul3A_118, %dma_wait3A_129] : memref<10240x128xf32, #tpu.memory_space<vmem_shared>> -> memref<640x128xf32, #tpu.memory_space<vmem_shared>>
      tpu.wait_dma2 semaphore(%run_scoped3A : memref<!tpu.dma_semaphore, #tpu.memory_space<semaphore_mem>>) src(%dma_wait3A_130 : memref<640x128xf32, #tpu.memory_space<vmem_shared>>) dst(%dma_wait3A_128 : memref<640x128xf32, #tpu.memory_space<hbm>>)
      tpu.yield
    }) : () -> ()
    return
  }
}

module attributes {stable_mosaic.version = 14 : i64} {
  func.func @body(%arg0: i32, %arg1: memref<2048x16xf32, #tpu.memory_space<vmem>>, %arg2: memref<256x16xf32, #tpu.memory_space<vmem>>, %arg3: memref<2x2048x128xf32, #tpu.memory_space<vmem>>) attributes {dimension_semantics = [#tpu.dimension_semantics<arbitrary>], iteration_bounds = array<i64: 80>, scalar_prefetch = 0 : i64, scratch_operands = 0 : i64, tpu.core_type = #tpu.core_type<tc>, window_params = [{transform_indices = @transform_0, window_bounds = array<i64: 2048, 16>}, {pipeline_mode = #tpu.pipeline_mode<synchronous>, transform_indices = @transform_1, window_bounds = array<i64: 256, 16>}, {transform_indices = @transform_2, window_bounds = array<i64: 2, 2048, 128>}]} {
    %get3A = arith.constant 0 : index
    %get3A_0 = arith.constant 0 : index
    %get3A_1 = vector.load %arg1[%get3A, %get3A_0] : memref<2048x16xf32, #tpu.memory_space<vmem>>, vector<2048x16xf32>
    %get3A_2 = arith.constant 0 : index
    %get3A_3 = arith.constant 0 : index
    %get3A_4 = vector.load %arg2[%get3A_2, %get3A_3] : memref<256x16xf32, #tpu.memory_space<vmem>>, vector<256x16xf32>
    %dot_general3A = arith.constant dense<0.000000e+00> : vector<2048x256xf32>
    %dot_general3A_5 = tpu.matmul %get3A_1, %get3A_4, %dot_general3A {dimension_numbers = #tpu.dot_dimension_numbers<[1], [1], [0], [0], [0, 0, 1, 0], [], []>, transpose_lhs_hint = false} : vector<2048x16xf32>, vector<256x16xf32>, vector<2048x256xf32> -> vector<2048x256xf32>
    %slice3A = vector.extract_strided_slice %dot_general3A_5 {offsets = [0, 0], sizes = [2048, 128], strides = [1, 1]} : vector<2048x256xf32> to vector<2048x128xf32>
    %swap3A = arith.constant 0 : index
    %swap3A_6 = arith.constant 0 : index
    %swap3A_7 = arith.constant 0 : index
    %swap3A_8 = vector.load %arg3[%swap3A, %swap3A_6, %swap3A_7] : memref<2x2048x128xf32, #tpu.memory_space<vmem>>, vector<1x2048x128xf32>
    %swap3A_9 = vector.shape_cast %swap3A_8 : vector<1x2048x128xf32> to vector<2048x128xf32>
    %swap3A_10 = vector.shape_cast %slice3A : vector<2048x128xf32> to vector<1x2048x128xf32>
    tpu.vector_store %arg3[%swap3A, %swap3A_6, %swap3A_7], %swap3A_10 {strides = array<i32>} : memref<2x2048x128xf32, #tpu.memory_space<vmem>>, vector<1x2048x128xf32>,
    %slice3A_11 = vector.extract_strided_slice %dot_general3A_5 {offsets = [0, 128], sizes = [2048, 128], strides = [1, 1]} : vector<2048x256xf32> to vector<2048x128xf32>
    %swap3A_12 = arith.constant 1 : index
    %swap3A_13 = arith.constant 0 : index
    %swap3A_14 = arith.constant 0 : index
    %swap3A_15 = vector.load %arg3[%swap3A_12, %swap3A_13, %swap3A_14] : memref<2x2048x128xf32, #tpu.memory_space<vmem>>, vector<1x2048x128xf32>
    %swap3A_16 = vector.shape_cast %swap3A_15 : vector<1x2048x128xf32> to vector<2048x128xf32>
    %swap3A_17 = vector.shape_cast %slice3A_11 : vector<2048x128xf32> to vector<1x2048x128xf32>
    tpu.vector_store %arg3[%swap3A_12, %swap3A_13, %swap3A_14], %swap3A_17 {strides = array<i32>} : memref<2x2048x128xf32, #tpu.memory_space<vmem>>, vector<1x2048x128xf32>,
    return
  }
  func.func @transform_0(%arg0: i32) -> (i32, i32) {
    %c0_i32 = arith.constant 0 : i32
    %c0_i32_0 = arith.constant 0 : i32
    return %arg0, %c0_i32 : i32, i32
  }
  func.func @transform_1(%arg0: i32) -> (i32, i32) {
    %c0_i32 = arith.constant 0 : i32
    %c0_i32_0 = arith.constant 0 : i32
    %c0_i32_1 = arith.constant 0 : i32
    return %c0_i32, %c0_i32_0 : i32, i32
  }
  func.func @transform_2(%arg0: i32) -> (i32, i32, i32) {
    %c0_i32 = arith.constant 0 : i32
    %c0_i32_0 = arith.constant 0 : i32
    %c0_i32_1 = arith.constant 0 : i32
    return %c0_i32, %arg0, %c0_i32_0 : i32, i32, i32
  }
}

module attributes {stable_mosaic.version = 14 : i64} {
  func.func @body(%arg0: i32, %arg1: memref<2000x256xf32, #tpu.memory_space<vmem>>, %arg2: memref<256x256xf32, #tpu.memory_space<vmem>>, %arg3: memref<1x256xf32, #tpu.memory_space<vmem>>, %arg4: memref<256x256xf32, #tpu.memory_space<vmem>>, %arg5: memref<1x256xf32, #tpu.memory_space<vmem>>, %arg6: memref<2x2000x128xf32, #tpu.memory_space<vmem>>, %arg7: memref<2x2000x128xf32, #tpu.memory_space<vmem>>) attributes {dimension_semantics = [#tpu.dimension_semantics<arbitrary>], iteration_bounds = array<i64: 5>, scalar_prefetch = 0 : i64, scratch_operands = 0 : i64, tpu.core_type = #tpu.core_type<tc>, window_params = [{transform_indices = @transform_0, window_bounds = array<i64: 2000, 256>}, {pipeline_mode = #tpu.pipeline_mode<synchronous>, transform_indices = @transform_1, window_bounds = array<i64: 256, 256>}, {pipeline_mode = #tpu.pipeline_mode<synchronous>, transform_indices = @transform_2, window_bounds = array<i64: 1, 256>}, {pipeline_mode = #tpu.pipeline_mode<synchronous>, transform_indices = @transform_3, window_bounds = array<i64: 256, 256>}, {pipeline_mode = #tpu.pipeline_mode<synchronous>, transform_indices = @transform_4, window_bounds = array<i64: 1, 256>}, {transform_indices = @transform_5, window_bounds = array<i64: 2, 2000, 128>}, {transform_indices = @transform_6, window_bounds = array<i64: 2, 2000, 128>}]} {
    %get3A = arith.constant 0 : index
    %get3A_0 = arith.constant 0 : index
    %get3A_1 = vector.load %arg1[%get3A, %get3A_0] : memref<2000x256xf32, #tpu.memory_space<vmem>>, vector<2000x256xf32>
    %custom_jvp_call3A = arith.constant 0.000000e+00 : f32
    %max3A = vector.broadcast %custom_jvp_call3A : f32 to vector<2000x256xf32>
    %max3A_2 = arith.maximumf %get3A_1, %max3A : vector<2000x256xf32>
    %sub3A = vector.broadcast %custom_jvp_call3A : f32 to vector<2000x256xf32>
    %sub3A_3 = arith.subf %get3A_1, %sub3A : vector<2000x256xf32>
    %ne3A = arith.cmpf one, %sub3A_3, %sub3A_3 : vector<2000x256xf32>
    %add3A = vector.broadcast %custom_jvp_call3A : f32 to vector<2000x256xf32>
    %add3A_4 = arith.addf %get3A_1, %add3A : vector<2000x256xf32>
    %abs3A = math.absf %sub3A_3 : vector<2000x256xf32>
    %neg3A = arith.constant 0.000000e+00 : f32
    %neg3A_5 = vector.broadcast %neg3A : f32 to vector<2000x256xf32>
    %neg3A_6 = arith.subf %neg3A_5, %abs3A : vector<2000x256xf32>
    %exp3A = math.exp %neg3A_6 : vector<2000x256xf32>
    %log1p3A = math.log1p %exp3A : vector<2000x256xf32>
    %add3A_7 = arith.addf %max3A_2, %log1p3A : vector<2000x256xf32>
    %select_n3A = arith.select %ne3A, %add3A_4, %add3A_7 : vector<2000x256xi1>, vector<2000x256xf32>
    %log3A = arith.constant 2.000000e+00 : f32
    %log3A_8 = math.log %log3A : f32
    %sub3A_9 = vector.broadcast %log3A_8 : f32 to vector<2000x256xf32>
    %sub3A_10 = arith.subf %select_n3A, %sub3A_9 : vector<2000x256xf32>
    %get3A_11 = arith.constant 0 : index
    %get3A_12 = arith.constant 0 : index
    %get3A_13 = vector.load %arg4[%get3A_11, %get3A_12] : memref<256x256xf32, #tpu.memory_space<vmem>>, vector<256x256xf32>
    %dot_general3A = arith.constant dense<0.000000e+00> : vector<2000x256xf32>
    %dot_general3A_14 = tpu.matmul %sub3A_10, %get3A_13, %dot_general3A {dimension_numbers = #tpu.dot_dimension_numbers<[1], [1], [0], [0], [0, 0, 1, 0], [], []>, transpose_lhs_hint = false} : vector<2000x256xf32>, vector<256x256xf32>, vector<2000x256xf32> -> vector<2000x256xf32>
    %get3A_15 = arith.constant 0 : index
    %get3A_16 = arith.constant 0 : index
    %get3A_17 = vector.load %arg5[%get3A_15, %get3A_16] : memref<1x256xf32, #tpu.memory_space<vmem>>, vector<1x256xf32>
    %add3A_18 = vector.broadcast %get3A_17 : vector<1x256xf32> to vector<2000x256xf32>
    %add3A_19 = arith.addf %dot_general3A_14, %add3A_18 : vector<2000x256xf32>
    %get3A_20 = arith.constant 0 : index
    %get3A_21 = arith.constant 0 : index
    %get3A_22 = vector.load %arg2[%get3A_20, %get3A_21] : memref<256x256xf32, #tpu.memory_space<vmem>>, vector<256x256xf32>
    %dot_general3A_23 = arith.constant dense<0.000000e+00> : vector<2000x256xf32>
    %dot_general3A_24 = tpu.matmul %sub3A_10, %get3A_22, %dot_general3A_23 {dimension_numbers = #tpu.dot_dimension_numbers<[1], [1], [0], [0], [0, 0, 1, 0], [], []>, transpose_lhs_hint = false} : vector<2000x256xf32>, vector<256x256xf32>, vector<2000x256xf32> -> vector<2000x256xf32>
    %get3A_25 = arith.constant 0 : index
    %get3A_26 = arith.constant 0 : index
    %get3A_27 = vector.load %arg3[%get3A_25, %get3A_26] : memref<1x256xf32, #tpu.memory_space<vmem>>, vector<1x256xf32>
    %add3A_28 = vector.broadcast %get3A_27 : vector<1x256xf32> to vector<2000x256xf32>
    %add3A_29 = arith.addf %dot_general3A_24, %add3A_28 : vector<2000x256xf32>
    %slice3A = vector.extract_strided_slice %add3A_19 {offsets = [0, 0], sizes = [2000, 128], strides = [1, 1]} : vector<2000x256xf32> to vector<2000x128xf32>
    %swap3A = arith.constant 0 : index
    %swap3A_30 = arith.constant 0 : index
    %swap3A_31 = arith.constant 0 : index
    %swap3A_32 = vector.load %arg6[%swap3A, %swap3A_30, %swap3A_31] : memref<2x2000x128xf32, #tpu.memory_space<vmem>>, vector<1x2000x128xf32>
    %swap3A_33 = vector.shape_cast %swap3A_32 : vector<1x2000x128xf32> to vector<2000x128xf32>
    %swap3A_34 = vector.shape_cast %slice3A : vector<2000x128xf32> to vector<1x2000x128xf32>
    tpu.vector_store %arg6[%swap3A, %swap3A_30, %swap3A_31], %swap3A_34 {strides = array<i32>} : memref<2x2000x128xf32, #tpu.memory_space<vmem>>, vector<1x2000x128xf32>,
    %slice3A_35 = vector.extract_strided_slice %add3A_19 {offsets = [0, 128], sizes = [2000, 128], strides = [1, 1]} : vector<2000x256xf32> to vector<2000x128xf32>
    %swap3A_36 = arith.constant 1 : index
    %swap3A_37 = arith.constant 0 : index
    %swap3A_38 = arith.constant 0 : index
    %swap3A_39 = vector.load %arg6[%swap3A_36, %swap3A_37, %swap3A_38] : memref<2x2000x128xf32, #tpu.memory_space<vmem>>, vector<1x2000x128xf32>
    %swap3A_40 = vector.shape_cast %swap3A_39 : vector<1x2000x128xf32> to vector<2000x128xf32>
    %swap3A_41 = vector.shape_cast %slice3A_35 : vector<2000x128xf32> to vector<1x2000x128xf32>
    tpu.vector_store %arg6[%swap3A_36, %swap3A_37, %swap3A_38], %swap3A_41 {strides = array<i32>} : memref<2x2000x128xf32, #tpu.memory_space<vmem>>, vector<1x2000x128xf32>,
    %slice3A_42 = vector.extract_strided_slice %add3A_29 {offsets = [0, 0], sizes = [2000, 128], strides = [1, 1]} : vector<2000x256xf32> to vector<2000x128xf32>
    %swap3A_43 = arith.constant 0 : index
    %swap3A_44 = arith.constant 0 : index
    %swap3A_45 = arith.constant 0 : index
    %swap3A_46 = vector.load %arg7[%swap3A_43, %swap3A_44, %swap3A_45] : memref<2x2000x128xf32, #tpu.memory_space<vmem>>, vector<1x2000x128xf32>
    %swap3A_47 = vector.shape_cast %swap3A_46 : vector<1x2000x128xf32> to vector<2000x128xf32>
    %swap3A_48 = vector.shape_cast %slice3A_42 : vector<2000x128xf32> to vector<1x2000x128xf32>
    tpu.vector_store %arg7[%swap3A_43, %swap3A_44, %swap3A_45], %swap3A_48 {strides = array<i32>} : memref<2x2000x128xf32, #tpu.memory_space<vmem>>, vector<1x2000x128xf32>,
    %slice3A_49 = vector.extract_strided_slice %add3A_29 {offsets = [0, 128], sizes = [2000, 128], strides = [1, 1]} : vector<2000x256xf32> to vector<2000x128xf32>
    %swap3A_50 = arith.constant 1 : index
    %swap3A_51 = arith.constant 0 : index
    %swap3A_52 = arith.constant 0 : index
    %swap3A_53 = vector.load %arg7[%swap3A_50, %swap3A_51, %swap3A_52] : memref<2x2000x128xf32, #tpu.memory_space<vmem>>, vector<1x2000x128xf32>
    %swap3A_54 = vector.shape_cast %swap3A_53 : vector<1x2000x128xf32> to vector<2000x128xf32>
    %swap3A_55 = vector.shape_cast %slice3A_49 : vector<2000x128xf32> to vector<1x2000x128xf32>
    tpu.vector_store %arg7[%swap3A_50, %swap3A_51, %swap3A_52], %swap3A_55 {strides = array<i32>} : memref<2x2000x128xf32, #tpu.memory_space<vmem>>, vector<1x2000x128xf32>,
    return
  }
  func.func @transform_0(%arg0: i32) -> (i32, i32) {
    %c0_i32 = arith.constant 0 : i32
    %c0_i32_0 = arith.constant 0 : i32
    return %arg0, %c0_i32 : i32, i32
  }
  func.func @transform_1(%arg0: i32) -> (i32, i32) {
    %c0_i32 = arith.constant 0 : i32
    %c0_i32_0 = arith.constant 0 : i32
    %c0_i32_1 = arith.constant 0 : i32
    return %c0_i32, %c0_i32_0 : i32, i32
  }
  func.func @transform_2(%arg0: i32) -> (i32, i32) {
    %c0_i32 = arith.constant 0 : i32
    %c0_i32_0 = arith.constant 0 : i32
    %c0_i32_1 = arith.constant 0 : i32
    return %c0_i32, %c0_i32_0 : i32, i32
  }
  func.func @transform_3(%arg0: i32) -> (i32, i32) {
    %c0_i32 = arith.constant 0 : i32
    %c0_i32_0 = arith.constant 0 : i32
    %c0_i32_1 = arith.constant 0 : i32
    return %c0_i32, %c0_i32_0 : i32, i32
  }
  func.func @transform_4(%arg0: i32) -> (i32, i32) {
    %c0_i32 = arith.constant 0 : i32
    %c0_i32_0 = arith.constant 0 : i32
    %c0_i32_1 = arith.constant 0 : i32
    return %c0_i32, %c0_i32_0 : i32, i32
  }
  func.func @transform_5(%arg0: i32) -> (i32, i32, i32) {
    %c0_i32 = arith.constant 0 : i32
    %c0_i32_0 = arith.constant 0 : i32
    %c0_i32_1 = arith.constant 0 : i32
    return %c0_i32, %arg0, %c0_i32_0 : i32, i32, i32
  }
  func.func @transform_6(%arg0: i32) -> (i32, i32, i32) {
    %c0_i32 = arith.constant 0 : i32
    %c0_i32_0 = arith.constant 0 : i32
    %c0_i32_1 = arith.constant 0 : i32
    return %c0_i32, %arg0, %c0_i32_0 : i32, i32, i32
  }
}

module attributes {stable_mosaic.version = 14 : i64} {
  func.func @body(%arg0: i32, %arg1: memref<2x2000x128xf32, #tpu.memory_space<vmem>>, %arg2: memref<2000x256xf32, #tpu.memory_space<vmem>>, %arg3: memref<1x256xf32, #tpu.memory_space<vmem>>, %arg4: memref<256x256xf32, #tpu.memory_space<vmem>>, %arg5: memref<1x256xf32, #tpu.memory_space<vmem>>, %arg6: memref<3x256x256xf32, #tpu.memory_space<vmem>>, %arg7: memref<3x256xf32, #tpu.memory_space<vmem>>, %arg8: memref<3x256x256xf32, #tpu.memory_space<vmem>>, %arg9: memref<3x256xf32, #tpu.memory_space<vmem>>, %arg10: memref<2x256x256xf32, #tpu.memory_space<vmem>>, %arg11: memref<2x256xf32, #tpu.memory_space<vmem>>, %arg12: memref<2x256x256xf32, #tpu.memory_space<vmem>>, %arg13: memref<2x256xf32, #tpu.memory_space<vmem>>, %arg14: memref<1x256x256xf32, #tpu.memory_space<vmem>>, %arg15: memref<1x256xf32, #tpu.memory_space<vmem>>, %arg16: memref<1x256x256xf32, #tpu.memory_space<vmem>>, %arg17: memref<1x256xf32, #tpu.memory_space<vmem>>, %arg18: memref<2x256xf32, #tpu.memory_space<vmem>>, %arg19: memref<2000x2xf32, #tpu.memory_space<vmem>>, %arg20: memref<2000x256xf32, #tpu.memory_space<vmem>>, %arg21: memref<2000x256xf32, #tpu.memory_space<vmem>>) attributes {dimension_semantics = [#tpu.dimension_semantics<arbitrary>], iteration_bounds = array<i64: 5>, scalar_prefetch = 0 : i64, scratch_operands = 0 : i64, tpu.core_type = #tpu.core_type<tc>, window_params = [{transform_indices = @transform_0, window_bounds = array<i64: 2, 2000, 128>}, {transform_indices = @transform_1, window_bounds = array<i64: 2000, 256>}, {pipeline_mode = #tpu.pipeline_mode<synchronous>, transform_indices = @transform_2, window_bounds = array<i64: 1, 256>}, {pipeline_mode = #tpu.pipeline_mode<synchronous>, transform_indices = @transform_3, window_bounds = array<i64: 256, 256>}, {pipeline_mode = #tpu.pipeline_mode<synchronous>, transform_indices = @transform_4, window_bounds = array<i64: 1, 256>}, {pipeline_mode = #tpu.pipeline_mode<synchronous>, transform_indices = @transform_5, window_bounds = array<i64: 3, 256, 256>}, {pipeline_mode = #tpu.pipeline_mode<synchronous>, transform_indices = @transform_6, window_bounds = array<i64: 3, 256>}, {pipeline_mode = #tpu.pipeline_mode<synchronous>, transform_indices = @transform_7, window_bounds = array<i64: 3, 256, 256>}, {pipeline_mode = #tpu.pipeline_mode<synchronous>, transform_indices = @transform_8, window_bounds = array<i64: 3, 256>}, {pipeline_mode = #tpu.pipeline_mode<synchronous>, transform_indices = @transform_9, window_bounds = array<i64: 2, 256, 256>}, {pipeline_mode = #tpu.pipeline_mode<synchronous>, transform_indices = @transform_10, window_bounds = array<i64: 2, 256>}, {pipeline_mode = #tpu.pipeline_mode<synchronous>, transform_indices = @transform_11, window_bounds = array<i64: 2, 256, 256>}, {pipeline_mode = #tpu.pipeline_mode<synchronous>, transform_indices = @transform_12, window_bounds = array<i64: 2, 256>}, {pipeline_mode = #tpu.pipeline_mode<synchronous>, transform_indices = @transform_13, window_bounds = array<i64: 1, 256, 256>}, {pipeline_mode = #tpu.pipeline_mode<synchronous>, transform_indices = @transform_14, window_bounds = array<i64: 1, 256>}, {pipeline_mode = #tpu.pipeline_mode<synchronous>, transform_indices = @transform_15, window_bounds = array<i64: 1, 256, 256>}, {pipeline_mode = #tpu.pipeline_mode<synchronous>, transform_indices = @transform_16, window_bounds = array<i64: 1, 256>}, {pipeline_mode = #tpu.pipeline_mode<synchronous>, transform_indices = @transform_17, window_bounds = array<i64: 2, 256>}, {transform_indices = @transform_18, window_bounds = array<i64: 2000, 2>}, {transform_indices = @transform_19, window_bounds = array<i64: 2000, 256>}, {transform_indices = @transform_20, window_bounds = array<i64: 2000, 256>}]} {
    %get3A = arith.constant 0 : index
    %get3A_0 = arith.constant 0 : index
    %get3A_1 = arith.constant 0 : index
    %get3A_2 = vector.load %arg1[%get3A, %get3A_0, %get3A_1] : memref<2x2000x128xf32, #tpu.memory_space<vmem>>, vector<1x2000x128xf32>
    %get3A_3 = vector.shape_cast %get3A_2 : vector<1x2000x128xf32> to vector<2000x128xf32>
    %get3A_4 = arith.constant 1 : index
    %get3A_5 = arith.constant 0 : index
    %get3A_6 = arith.constant 0 : index
    %get3A_7 = vector.load %arg1[%get3A_4, %get3A_5, %get3A_6] : memref<2x2000x128xf32, #tpu.memory_space<vmem>>, vector<1x2000x128xf32>
    %get3A_8 = vector.shape_cast %get3A_7 : vector<1x2000x128xf32> to vector<2000x128xf32>
    %concatenate3A = tpu.concatenate %get3A_3, %get3A_8 in 1 : vector<2000x128xf32>, vector<2000x128xf32> -> vector<2000x256xf32>
    %get3A_9 = arith.constant 0 : index
    %get3A_10 = arith.constant 0 : index
    %get3A_11 = arith.constant 0 : index
    %get3A_12 = vector.load %arg6[%get3A_9, %get3A_10, %get3A_11] : memref<3x256x256xf32, #tpu.memory_space<vmem>>, vector<1x256x256xf32>
    %get3A_13 = vector.shape_cast %get3A_12 : vector<1x256x256xf32> to vector<256x256xf32>
    %get3A_14 = arith.constant 0 : index
    %get3A_15 = arith.constant 0 : index
    %get3A_16 = vector.load %arg7[%get3A_14, %get3A_15] : memref<3x256xf32, #tpu.memory_space<vmem>>, vector<1x256xf32>
    %get3A_17 = vector.shape_cast %get3A_16 : vector<1x256xf32> to vector<256xf32>
    %get3A_18 = arith.constant 0 : index
    %get3A_19 = arith.constant 0 : index
    %get3A_20 = arith.constant 0 : index
    %get3A_21 = vector.load %arg8[%get3A_18, %get3A_19, %get3A_20] : memref<3x256x256xf32, #tpu.memory_space<vmem>>, vector<1x256x256xf32>
    %get3A_22 = vector.shape_cast %get3A_21 : vector<1x256x256xf32> to vector<256x256xf32>
    %get3A_23 = arith.constant 0 : index
    %get3A_24 = arith.constant 0 : index
    %get3A_25 = vector.load %arg9[%get3A_23, %get3A_24] : memref<3x256xf32, #tpu.memory_space<vmem>>, vector<1x256xf32>
    %get3A_26 = vector.shape_cast %get3A_25 : vector<1x256xf32> to vector<256xf32>
    %custom_jvp_call3A = arith.constant 0.000000e+00 : f32
    %max3A = vector.broadcast %custom_jvp_call3A : f32 to vector<2000x256xf32>
    %max3A_27 = arith.maximumf %concatenate3A, %max3A : vector<2000x256xf32>
    %sub3A = vector.broadcast %custom_jvp_call3A : f32 to vector<2000x256xf32>
    %sub3A_28 = arith.subf %concatenate3A, %sub3A : vector<2000x256xf32>
    %ne3A = arith.cmpf one, %sub3A_28, %sub3A_28 : vector<2000x256xf32>
    %add3A = vector.broadcast %custom_jvp_call3A : f32 to vector<2000x256xf32>
    %add3A_29 = arith.addf %concatenate3A, %add3A : vector<2000x256xf32>
    %abs3A = math.absf %sub3A_28 : vector<2000x256xf32>
    %neg3A = arith.constant 0.000000e+00 : f32
    %neg3A_30 = vector.broadcast %neg3A : f32 to vector<2000x256xf32>
    %neg3A_31 = arith.subf %neg3A_30, %abs3A : vector<2000x256xf32>
    %exp3A = math.exp %neg3A_31 : vector<2000x256xf32>
    %log1p3A = math.log1p %exp3A : vector<2000x256xf32>
    %add3A_32 = arith.addf %max3A_27, %log1p3A : vector<2000x256xf32>
    %select_n3A = arith.select %ne3A, %add3A_29, %add3A_32 : vector<2000x256xi1>, vector<2000x256xf32>
    %log3A = arith.constant 2.000000e+00 : f32
    %log3A_33 = math.log %log3A : f32
    %sub3A_34 = vector.broadcast %log3A_33 : f32 to vector<2000x256xf32>
    %sub3A_35 = arith.subf %select_n3A, %sub3A_34 : vector<2000x256xf32>
    %dot_general3A = arith.constant dense<0.000000e+00> : vector<2000x256xf32>
    %dot_general3A_36 = tpu.matmul %sub3A_35, %get3A_13, %dot_general3A {dimension_numbers = #tpu.dot_dimension_numbers<[1], [1], [0], [0], [0, 0, 1, 0], [], []>, transpose_lhs_hint = false} : vector<2000x256xf32>, vector<256x256xf32>, vector<2000x256xf32> -> vector<2000x256xf32>
    %broadcast_in_dim3A = vector.shape_cast %get3A_17 : vector<256xf32> to vector<1x256xf32>
    %add3A_37 = vector.broadcast %broadcast_in_dim3A : vector<1x256xf32> to vector<2000x256xf32>
    %add3A_38 = arith.addf %dot_general3A_36, %add3A_37 : vector<2000x256xf32>
    %custom_jvp_call3A_39 = arith.constant 0.000000e+00 : f32
    %max3A_40 = vector.broadcast %custom_jvp_call3A_39 : f32 to vector<2000x256xf32>
    %max3A_41 = arith.maximumf %add3A_38, %max3A_40 : vector<2000x256xf32>
    %sub3A_42 = vector.broadcast %custom_jvp_call3A_39 : f32 to vector<2000x256xf32>
    %sub3A_43 = arith.subf %add3A_38, %sub3A_42 : vector<2000x256xf32>
    %ne3A_44 = arith.cmpf one, %sub3A_43, %sub3A_43 : vector<2000x256xf32>
    %add3A_45 = vector.broadcast %custom_jvp_call3A_39 : f32 to vector<2000x256xf32>
    %add3A_46 = arith.addf %add3A_38, %add3A_45 : vector<2000x256xf32>
    %abs3A_47 = math.absf %sub3A_43 : vector<2000x256xf32>
    %neg3A_48 = arith.constant 0.000000e+00 : f32
    %neg3A_49 = vector.broadcast %neg3A_48 : f32 to vector<2000x256xf32>
    %neg3A_50 = arith.subf %neg3A_49, %abs3A_47 : vector<2000x256xf32>
    %exp3A_51 = math.exp %neg3A_50 : vector<2000x256xf32>
    %log1p3A_52 = math.log1p %exp3A_51 : vector<2000x256xf32>
    %add3A_53 = arith.addf %max3A_41, %log1p3A_52 : vector<2000x256xf32>
    %select_n3A_54 = arith.select %ne3A_44, %add3A_46, %add3A_53 : vector<2000x256xi1>, vector<2000x256xf32>
    %log3A_55 = arith.constant 2.000000e+00 : f32
    %log3A_56 = math.log %log3A_55 : f32
    %sub3A_57 = vector.broadcast %log3A_56 : f32 to vector<2000x256xf32>
    %sub3A_58 = arith.subf %select_n3A_54, %sub3A_57 : vector<2000x256xf32>
    %dot_general3A_59 = arith.constant dense<0.000000e+00> : vector<2000x256xf32>
    %dot_general3A_60 = tpu.matmul %sub3A_58, %get3A_22, %dot_general3A_59 {dimension_numbers = #tpu.dot_dimension_numbers<[1], [1], [0], [0], [0, 0, 1, 0], [], []>, transpose_lhs_hint = false} : vector<2000x256xf32>, vector<256x256xf32>, vector<2000x256xf32> -> vector<2000x256xf32>
    %broadcast_in_dim3A_61 = vector.shape_cast %get3A_26 : vector<256xf32> to vector<1x256xf32>
    %add3A_62 = vector.broadcast %broadcast_in_dim3A_61 : vector<1x256xf32> to vector<2000x256xf32>
    %add3A_63 = arith.addf %dot_general3A_60, %add3A_62 : vector<2000x256xf32>
    %add3A_64 = arith.addf %concatenate3A, %add3A_63 : vector<2000x256xf32>
    %get3A_65 = arith.constant 1 : index
    %get3A_66 = arith.constant 0 : index
    %get3A_67 = arith.constant 0 : index
    %get3A_68 = vector.load %arg6[%get3A_65, %get3A_66, %get3A_67] : memref<3x256x256xf32, #tpu.memory_space<vmem>>, vector<1x256x256xf32>
    %get3A_69 = vector.shape_cast %get3A_68 : vector<1x256x256xf32> to vector<256x256xf32>
    %get3A_70 = arith.constant 1 : index
    %get3A_71 = arith.constant 0 : index
    %get3A_72 = vector.load %arg7[%get3A_70, %get3A_71] : memref<3x256xf32, #tpu.memory_space<vmem>>, vector<1x256xf32>
    %get3A_73 = vector.shape_cast %get3A_72 : vector<1x256xf32> to vector<256xf32>
    %get3A_74 = arith.constant 1 : index
    %get3A_75 = arith.constant 0 : index
    %get3A_76 = arith.constant 0 : index
    %get3A_77 = vector.load %arg8[%get3A_74, %get3A_75, %get3A_76] : memref<3x256x256xf32, #tpu.memory_space<vmem>>, vector<1x256x256xf32>
    %get3A_78 = vector.shape_cast %get3A_77 : vector<1x256x256xf32> to vector<256x256xf32>
    %get3A_79 = arith.constant 1 : index
    %get3A_80 = arith.constant 0 : index
    %get3A_81 = vector.load %arg9[%get3A_79, %get3A_80] : memref<3x256xf32, #tpu.memory_space<vmem>>, vector<1x256xf32>
    %get3A_82 = vector.shape_cast %get3A_81 : vector<1x256xf32> to vector<256xf32>
    %custom_jvp_call3A_83 = arith.constant 0.000000e+00 : f32
    %max3A_84 = vector.broadcast %custom_jvp_call3A_83 : f32 to vector<2000x256xf32>
    %max3A_85 = arith.maximumf %add3A_64, %max3A_84 : vector<2000x256xf32>
    %sub3A_86 = vector.broadcast %custom_jvp_call3A_83 : f32 to vector<2000x256xf32>
    %sub3A_87 = arith.subf %add3A_64, %sub3A_86 : vector<2000x256xf32>
    %ne3A_88 = arith.cmpf one, %sub3A_87, %sub3A_87 : vector<2000x256xf32>
    %add3A_89 = vector.broadcast %custom_jvp_call3A_83 : f32 to vector<2000x256xf32>
    %add3A_90 = arith.addf %add3A_64, %add3A_89 : vector<2000x256xf32>
    %abs3A_91 = math.absf %sub3A_87 : vector<2000x256xf32>
    %neg3A_92 = arith.constant 0.000000e+00 : f32
    %neg3A_93 = vector.broadcast %neg3A_92 : f32 to vector<2000x256xf32>
    %neg3A_94 = arith.subf %neg3A_93, %abs3A_91 : vector<2000x256xf32>
    %exp3A_95 = math.exp %neg3A_94 : vector<2000x256xf32>
    %log1p3A_96 = math.log1p %exp3A_95 : vector<2000x256xf32>
    %add3A_97 = arith.addf %max3A_85, %log1p3A_96 : vector<2000x256xf32>
    %select_n3A_98 = arith.select %ne3A_88, %add3A_90, %add3A_97 : vector<2000x256xi1>, vector<2000x256xf32>
    %log3A_99 = arith.constant 2.000000e+00 : f32
    %log3A_100 = math.log %log3A_99 : f32
    %sub3A_101 = vector.broadcast %log3A_100 : f32 to vector<2000x256xf32>
    %sub3A_102 = arith.subf %select_n3A_98, %sub3A_101 : vector<2000x256xf32>
    %dot_general3A_103 = arith.constant dense<0.000000e+00> : vector<2000x256xf32>
    %dot_general3A_104 = tpu.matmul %sub3A_102, %get3A_69, %dot_general3A_103 {dimension_numbers = #tpu.dot_dimension_numbers<[1], [1], [0], [0], [0, 0, 1, 0], [], []>, transpose_lhs_hint = false} : vector<2000x256xf32>, vector<256x256xf32>, vector<2000x256xf32> -> vector<2000x256xf32>
    %broadcast_in_dim3A_105 = vector.shape_cast %get3A_73 : vector<256xf32> to vector<1x256xf32>
    %add3A_106 = vector.broadcast %broadcast_in_dim3A_105 : vector<1x256xf32> to vector<2000x256xf32>
    %add3A_107 = arith.addf %dot_general3A_104, %add3A_106 : vector<2000x256xf32>
    %custom_jvp_call3A_108 = arith.constant 0.000000e+00 : f32
    %max3A_109 = vector.broadcast %custom_jvp_call3A_108 : f32 to vector<2000x256xf32>
    %max3A_110 = arith.maximumf %add3A_107, %max3A_109 : vector<2000x256xf32>
    %sub3A_111 = vector.broadcast %custom_jvp_call3A_108 : f32 to vector<2000x256xf32>
    %sub3A_112 = arith.subf %add3A_107, %sub3A_111 : vector<2000x256xf32>
    %ne3A_113 = arith.cmpf one, %sub3A_112, %sub3A_112 : vector<2000x256xf32>
    %add3A_114 = vector.broadcast %custom_jvp_call3A_108 : f32 to vector<2000x256xf32>
    %add3A_115 = arith.addf %add3A_107, %add3A_114 : vector<2000x256xf32>
    %abs3A_116 = math.absf %sub3A_112 : vector<2000x256xf32>
    %neg3A_117 = arith.constant 0.000000e+00 : f32
    %neg3A_118 = vector.broadcast %neg3A_117 : f32 to vector<2000x256xf32>
    %neg3A_119 = arith.subf %neg3A_118, %abs3A_116 : vector<2000x256xf32>
    %exp3A_120 = math.exp %neg3A_119 : vector<2000x256xf32>
    %log1p3A_121 = math.log1p %exp3A_120 : vector<2000x256xf32>
    %add3A_122 = arith.addf %max3A_110, %log1p3A_121 : vector<2000x256xf32>
    %select_n3A_123 = arith.select %ne3A_113, %add3A_115, %add3A_122 : vector<2000x256xi1>, vector<2000x256xf32>
    %log3A_124 = arith.constant 2.000000e+00 : f32
    %log3A_125 = math.log %log3A_124 : f32
    %sub3A_126 = vector.broadcast %log3A_125 : f32 to vector<2000x256xf32>
    %sub3A_127 = arith.subf %select_n3A_123, %sub3A_126 : vector<2000x256xf32>
    %dot_general3A_128 = arith.constant dense<0.000000e+00> : vector<2000x256xf32>
    %dot_general3A_129 = tpu.matmul %sub3A_127, %get3A_78, %dot_general3A_128 {dimension_numbers = #tpu.dot_dimension_numbers<[1], [1], [0], [0], [0, 0, 1, 0], [], []>, transpose_lhs_hint = false} : vector<2000x256xf32>, vector<256x256xf32>, vector<2000x256xf32> -> vector<2000x256xf32>
    %broadcast_in_dim3A_130 = vector.shape_cast %get3A_82 : vector<256xf32> to vector<1x256xf32>
    %add3A_131 = vector.broadcast %broadcast_in_dim3A_130 : vector<1x256xf32> to vector<2000x256xf32>
    %add3A_132 = arith.addf %dot_general3A_129, %add3A_131 : vector<2000x256xf32>
    %add3A_133 = arith.addf %add3A_64, %add3A_132 : vector<2000x256xf32>
    %get3A_134 = arith.constant 2 : index
    %get3A_135 = arith.constant 0 : index
    %get3A_136 = arith.constant 0 : index
    %get3A_137 = vector.load %arg6[%get3A_134, %get3A_135, %get3A_136] : memref<3x256x256xf32, #tpu.memory_space<vmem>>, vector<1x256x256xf32>
    %get3A_138 = vector.shape_cast %get3A_137 : vector<1x256x256xf32> to vector<256x256xf32>
    %get3A_139 = arith.constant 2 : index
    %get3A_140 = arith.constant 0 : index
    %get3A_141 = vector.load %arg7[%get3A_139, %get3A_140] : memref<3x256xf32, #tpu.memory_space<vmem>>, vector<1x256xf32>
    %get3A_142 = vector.shape_cast %get3A_141 : vector<1x256xf32> to vector<256xf32>
    %get3A_143 = arith.constant 2 : index
    %get3A_144 = arith.constant 0 : index
    %get3A_145 = arith.constant 0 : index
    %get3A_146 = vector.load %arg8[%get3A_143, %get3A_144, %get3A_145] : memref<3x256x256xf32, #tpu.memory_space<vmem>>, vector<1x256x256xf32>
    %get3A_147 = vector.shape_cast %get3A_146 : vector<1x256x256xf32> to vector<256x256xf32>
    %get3A_148 = arith.constant 2 : index
    %get3A_149 = arith.constant 0 : index
    %get3A_150 = vector.load %arg9[%get3A_148, %get3A_149] : memref<3x256xf32, #tpu.memory_space<vmem>>, vector<1x256xf32>
    %get3A_151 = vector.shape_cast %get3A_150 : vector<1x256xf32> to vector<256xf32>
    %custom_jvp_call3A_152 = arith.constant 0.000000e+00 : f32
    %max3A_153 = vector.broadcast %custom_jvp_call3A_152 : f32 to vector<2000x256xf32>
    %max3A_154 = arith.maximumf %add3A_133, %max3A_153 : vector<2000x256xf32>
    %sub3A_155 = vector.broadcast %custom_jvp_call3A_152 : f32 to vector<2000x256xf32>
    %sub3A_156 = arith.subf %add3A_133, %sub3A_155 : vector<2000x256xf32>
    %ne3A_157 = arith.cmpf one, %sub3A_156, %sub3A_156 : vector<2000x256xf32>
    %add3A_158 = vector.broadcast %custom_jvp_call3A_152 : f32 to vector<2000x256xf32>
    %add3A_159 = arith.addf %add3A_133, %add3A_158 : vector<2000x256xf32>
    %abs3A_160 = math.absf %sub3A_156 : vector<2000x256xf32>
    %neg3A_161 = arith.constant 0.000000e+00 : f32
    %neg3A_162 = vector.broadcast %neg3A_161 : f32 to vector<2000x256xf32>
    %neg3A_163 = arith.subf %neg3A_162, %abs3A_160 : vector<2000x256xf32>
    %exp3A_164 = math.exp %neg3A_163 : vector<2000x256xf32>
    %log1p3A_165 = math.log1p %exp3A_164 : vector<2000x256xf32>
    %add3A_166 = arith.addf %max3A_154, %log1p3A_165 : vector<2000x256xf32>
    %select_n3A_167 = arith.select %ne3A_157, %add3A_159, %add3A_166 : vector<2000x256xi1>, vector<2000x256xf32>
    %log3A_168 = arith.constant 2.000000e+00 : f32
    %log3A_169 = math.log %log3A_168 : f32
    %sub3A_170 = vector.broadcast %log3A_169 : f32 to vector<2000x256xf32>
    %sub3A_171 = arith.subf %select_n3A_167, %sub3A_170 : vector<2000x256xf32>
    %dot_general3A_172 = arith.constant dense<0.000000e+00> : vector<2000x256xf32>
    %dot_general3A_173 = tpu.matmul %sub3A_171, %get3A_138, %dot_general3A_172 {dimension_numbers = #tpu.dot_dimension_numbers<[1], [1], [0], [0], [0, 0, 1, 0], [], []>, transpose_lhs_hint = false} : vector<2000x256xf32>, vector<256x256xf32>, vector<2000x256xf32> -> vector<2000x256xf32>
    %broadcast_in_dim3A_174 = vector.shape_cast %get3A_142 : vector<256xf32> to vector<1x256xf32>
    %add3A_175 = vector.broadcast %broadcast_in_dim3A_174 : vector<1x256xf32> to vector<2000x256xf32>
    %add3A_176 = arith.addf %dot_general3A_173, %add3A_175 : vector<2000x256xf32>
    %custom_jvp_call3A_177 = arith.constant 0.000000e+00 : f32
    %max3A_178 = vector.broadcast %custom_jvp_call3A_177 : f32 to vector<2000x256xf32>
    %max3A_179 = arith.maximumf %add3A_176, %max3A_178 : vector<2000x256xf32>
    %sub3A_180 = vector.broadcast %custom_jvp_call3A_177 : f32 to vector<2000x256xf32>
    %sub3A_181 = arith.subf %add3A_176, %sub3A_180 : vector<2000x256xf32>
    %ne3A_182 = arith.cmpf one, %sub3A_181, %sub3A_181 : vector<2000x256xf32>
    %add3A_183 = vector.broadcast %custom_jvp_call3A_177 : f32 to vector<2000x256xf32>
    %add3A_184 = arith.addf %add3A_176, %add3A_183 : vector<2000x256xf32>
    %abs3A_185 = math.absf %sub3A_181 : vector<2000x256xf32>
    %neg3A_186 = arith.constant 0.000000e+00 : f32
    %neg3A_187 = vector.broadcast %neg3A_186 : f32 to vector<2000x256xf32>
    %neg3A_188 = arith.subf %neg3A_187, %abs3A_185 : vector<2000x256xf32>
    %exp3A_189 = math.exp %neg3A_188 : vector<2000x256xf32>
    %log1p3A_190 = math.log1p %exp3A_189 : vector<2000x256xf32>
    %add3A_191 = arith.addf %max3A_179, %log1p3A_190 : vector<2000x256xf32>
    %select_n3A_192 = arith.select %ne3A_182, %add3A_184, %add3A_191 : vector<2000x256xi1>, vector<2000x256xf32>
    %log3A_193 = arith.constant 2.000000e+00 : f32
    %log3A_194 = math.log %log3A_193 : f32
    %sub3A_195 = vector.broadcast %log3A_194 : f32 to vector<2000x256xf32>
    %sub3A_196 = arith.subf %select_n3A_192, %sub3A_195 : vector<2000x256xf32>
    %dot_general3A_197 = arith.constant dense<0.000000e+00> : vector<2000x256xf32>
    %dot_general3A_198 = tpu.matmul %sub3A_196, %get3A_147, %dot_general3A_197 {dimension_numbers = #tpu.dot_dimension_numbers<[1], [1], [0], [0], [0, 0, 1, 0], [], []>, transpose_lhs_hint = false} : vector<2000x256xf32>, vector<256x256xf32>, vector<2000x256xf32> -> vector<2000x256xf32>
    %broadcast_in_dim3A_199 = vector.shape_cast %get3A_151 : vector<256xf32> to vector<1x256xf32>
    %add3A_200 = vector.broadcast %broadcast_in_dim3A_199 : vector<1x256xf32> to vector<2000x256xf32>
    %add3A_201 = arith.addf %dot_general3A_198, %add3A_200 : vector<2000x256xf32>
    %add3A_202 = arith.addf %add3A_133, %add3A_201 : vector<2000x256xf32>
    %custom_jvp_call3A_203 = arith.constant 0.000000e+00 : f32
    %max3A_204 = vector.broadcast %custom_jvp_call3A_203 : f32 to vector<2000x256xf32>
    %max3A_205 = arith.maximumf %add3A_202, %max3A_204 : vector<2000x256xf32>
    %sub3A_206 = vector.broadcast %custom_jvp_call3A_203 : f32 to vector<2000x256xf32>
    %sub3A_207 = arith.subf %add3A_202, %sub3A_206 : vector<2000x256xf32>
    %ne3A_208 = arith.cmpf one, %sub3A_207, %sub3A_207 : vector<2000x256xf32>
    %add3A_209 = vector.broadcast %custom_jvp_call3A_203 : f32 to vector<2000x256xf32>
    %add3A_210 = arith.addf %add3A_202, %add3A_209 : vector<2000x256xf32>
    %abs3A_211 = math.absf %sub3A_207 : vector<2000x256xf32>
    %neg3A_212 = arith.constant 0.000000e+00 : f32
    %neg3A_213 = vector.broadcast %neg3A_212 : f32 to vector<2000x256xf32>
    %neg3A_214 = arith.subf %neg3A_213, %abs3A_211 : vector<2000x256xf32>
    %exp3A_215 = math.exp %neg3A_214 : vector<2000x256xf32>
    %log1p3A_216 = math.log1p %exp3A_215 : vector<2000x256xf32>
    %add3A_217 = arith.addf %max3A_205, %log1p3A_216 : vector<2000x256xf32>
    %select_n3A_218 = arith.select %ne3A_208, %add3A_210, %add3A_217 : vector<2000x256xi1>, vector<2000x256xf32>
    %log3A_219 = arith.constant 2.000000e+00 : f32
    %log3A_220 = math.log %log3A_219 : f32
    %sub3A_221 = vector.broadcast %log3A_220 : f32 to vector<2000x256xf32>
    %sub3A_222 = arith.subf %select_n3A_218, %sub3A_221 : vector<2000x256xf32>
    %get3A_223 = arith.constant 0 : index
    %get3A_224 = arith.constant 0 : index
    %get3A_225 = vector.load %arg4[%get3A_223, %get3A_224] : memref<256x256xf32, #tpu.memory_space<vmem>>, vector<256x256xf32>
    %dot_general3A_226 = arith.constant dense<0.000000e+00> : vector<2000x256xf32>
    %dot_general3A_227 = tpu.matmul %sub3A_222, %get3A_225, %dot_general3A_226 {dimension_numbers = #tpu.dot_dimension_numbers<[1], [1], [0], [0], [0, 0, 1, 0], [], []>, transpose_lhs_hint = false} : vector<2000x256xf32>, vector<256x256xf32>, vector<2000x256xf32> -> vector<2000x256xf32>
    %get3A_228 = arith.constant 0 : index
    %get3A_229 = arith.constant 0 : index
    %get3A_230 = vector.load %arg5[%get3A_228, %get3A_229] : memref<1x256xf32, #tpu.memory_space<vmem>>, vector<1x256xf32>
    %add3A_231 = vector.broadcast %get3A_230 : vector<1x256xf32> to vector<2000x256xf32>
    %add3A_232 = arith.addf %dot_general3A_227, %add3A_231 : vector<2000x256xf32>
    %get3A_233 = arith.constant 0 : index
    %get3A_234 = arith.constant 0 : index
    %get3A_235 = vector.load %arg3[%get3A_233, %get3A_234] : memref<1x256xf32, #tpu.memory_space<vmem>>, vector<1x256xf32>
    %get3A_236 = arith.constant 0 : index
    %get3A_237 = arith.constant 0 : index
    %get3A_238 = vector.load %arg2[%get3A_236, %get3A_237] : memref<2000x256xf32, #tpu.memory_space<vmem>>, vector<2000x256xf32>
    %mul3A = vector.broadcast %get3A_235 : vector<1x256xf32> to vector<2000x256xf32>
    %mul3A_239 = arith.mulf %mul3A, %get3A_238 : vector<2000x256xf32>
    %add3A_240 = arith.addf %mul3A_239, %add3A_232 : vector<2000x256xf32>
    %get3A_241 = arith.constant 0 : index
    %get3A_242 = arith.constant 0 : index
    %get3A_243 = arith.constant 0 : index
    %get3A_244 = vector.load %arg10[%get3A_241, %get3A_242, %get3A_243] : memref<2x256x256xf32, #tpu.memory_space<vmem>>, vector<1x256x256xf32>
    %get3A_245 = vector.shape_cast %get3A_244 : vector<1x256x256xf32> to vector<256x256xf32>
    %get3A_246 = arith.constant 0 : index
    %get3A_247 = arith.constant 0 : index
    %get3A_248 = vector.load %arg11[%get3A_246, %get3A_247] : memref<2x256xf32, #tpu.memory_space<vmem>>, vector<1x256xf32>
    %get3A_249 = vector.shape_cast %get3A_248 : vector<1x256xf32> to vector<256xf32>
    %get3A_250 = arith.constant 0 : index
    %get3A_251 = arith.constant 0 : index
    %get3A_252 = arith.constant 0 : index
    %get3A_253 = vector.load %arg12[%get3A_250, %get3A_251, %get3A_252] : memref<2x256x256xf32, #tpu.memory_space<vmem>>, vector<1x256x256xf32>
    %get3A_254 = vector.shape_cast %get3A_253 : vector<1x256x256xf32> to vector<256x256xf32>
    %get3A_255 = arith.constant 0 : index
    %get3A_256 = arith.constant 0 : index
    %get3A_257 = vector.load %arg13[%get3A_255, %get3A_256] : memref<2x256xf32, #tpu.memory_space<vmem>>, vector<1x256xf32>
    %get3A_258 = vector.shape_cast %get3A_257 : vector<1x256xf32> to vector<256xf32>
    %custom_jvp_call3A_259 = arith.constant 0.000000e+00 : f32
    %max3A_260 = vector.broadcast %custom_jvp_call3A_259 : f32 to vector<2000x256xf32>
    %max3A_261 = arith.maximumf %add3A_240, %max3A_260 : vector<2000x256xf32>
    %sub3A_262 = vector.broadcast %custom_jvp_call3A_259 : f32 to vector<2000x256xf32>
    %sub3A_263 = arith.subf %add3A_240, %sub3A_262 : vector<2000x256xf32>
    %ne3A_264 = arith.cmpf one, %sub3A_263, %sub3A_263 : vector<2000x256xf32>
    %add3A_265 = vector.broadcast %custom_jvp_call3A_259 : f32 to vector<2000x256xf32>
    %add3A_266 = arith.addf %add3A_240, %add3A_265 : vector<2000x256xf32>
    %abs3A_267 = math.absf %sub3A_263 : vector<2000x256xf32>
    %neg3A_268 = arith.constant 0.000000e+00 : f32
    %neg3A_269 = vector.broadcast %neg3A_268 : f32 to vector<2000x256xf32>
    %neg3A_270 = arith.subf %neg3A_269, %abs3A_267 : vector<2000x256xf32>
    %exp3A_271 = math.exp %neg3A_270 : vector<2000x256xf32>
    %log1p3A_272 = math.log1p %exp3A_271 : vector<2000x256xf32>
    %add3A_273 = arith.addf %max3A_261, %log1p3A_272 : vector<2000x256xf32>
    %select_n3A_274 = arith.select %ne3A_264, %add3A_266, %add3A_273 : vector<2000x256xi1>, vector<2000x256xf32>
    %log3A_275 = arith.constant 2.000000e+00 : f32
    %log3A_276 = math.log %log3A_275 : f32
    %sub3A_277 = vector.broadcast %log3A_276 : f32 to vector<2000x256xf32>
    %sub3A_278 = arith.subf %select_n3A_274, %sub3A_277 : vector<2000x256xf32>
    %dot_general3A_279 = arith.constant dense<0.000000e+00> : vector<2000x256xf32>
    %dot_general3A_280 = tpu.matmul %sub3A_278, %get3A_245, %dot_general3A_279 {dimension_numbers = #tpu.dot_dimension_numbers<[1], [1], [0], [0], [0, 0, 1, 0], [], []>, transpose_lhs_hint = false} : vector<2000x256xf32>, vector<256x256xf32>, vector<2000x256xf32> -> vector<2000x256xf32>
    %broadcast_in_dim3A_281 = vector.shape_cast %get3A_249 : vector<256xf32> to vector<1x256xf32>
    %add3A_282 = vector.broadcast %broadcast_in_dim3A_281 : vector<1x256xf32> to vector<2000x256xf32>
    %add3A_283 = arith.addf %dot_general3A_280, %add3A_282 : vector<2000x256xf32>
    %custom_jvp_call3A_284 = arith.constant 0.000000e+00 : f32
    %max3A_285 = vector.broadcast %custom_jvp_call3A_284 : f32 to vector<2000x256xf32>
    %max3A_286 = arith.maximumf %add3A_283, %max3A_285 : vector<2000x256xf32>
    %sub3A_287 = vector.broadcast %custom_jvp_call3A_284 : f32 to vector<2000x256xf32>
    %sub3A_288 = arith.subf %add3A_283, %sub3A_287 : vector<2000x256xf32>
    %ne3A_289 = arith.cmpf one, %sub3A_288, %sub3A_288 : vector<2000x256xf32>
    %add3A_290 = vector.broadcast %custom_jvp_call3A_284 : f32 to vector<2000x256xf32>
    %add3A_291 = arith.addf %add3A_283, %add3A_290 : vector<2000x256xf32>
    %abs3A_292 = math.absf %sub3A_288 : vector<2000x256xf32>
    %neg3A_293 = arith.constant 0.000000e+00 : f32
    %neg3A_294 = vector.broadcast %neg3A_293 : f32 to vector<2000x256xf32>
    %neg3A_295 = arith.subf %neg3A_294, %abs3A_292 : vector<2000x256xf32>
    %exp3A_296 = math.exp %neg3A_295 : vector<2000x256xf32>
    %log1p3A_297 = math.log1p %exp3A_296 : vector<2000x256xf32>
    %add3A_298 = arith.addf %max3A_286, %log1p3A_297 : vector<2000x256xf32>
    %select_n3A_299 = arith.select %ne3A_289, %add3A_291, %add3A_298 : vector<2000x256xi1>, vector<2000x256xf32>
    %log3A_300 = arith.constant 2.000000e+00 : f32
    %log3A_301 = math.log %log3A_300 : f32
    %sub3A_302 = vector.broadcast %log3A_301 : f32 to vector<2000x256xf32>
    %sub3A_303 = arith.subf %select_n3A_299, %sub3A_302 : vector<2000x256xf32>
    %dot_general3A_304 = arith.constant dense<0.000000e+00> : vector<2000x256xf32>
    %dot_general3A_305 = tpu.matmul %sub3A_303, %get3A_254, %dot_general3A_304 {dimension_numbers = #tpu.dot_dimension_numbers<[1], [1], [0], [0], [0, 0, 1, 0], [], []>, transpose_lhs_hint = false} : vector<2000x256xf32>, vector<256x256xf32>, vector<2000x256xf32> -> vector<2000x256xf32>
    %broadcast_in_dim3A_306 = vector.shape_cast %get3A_258 : vector<256xf32> to vector<1x256xf32>
    %add3A_307 = vector.broadcast %broadcast_in_dim3A_306 : vector<1x256xf32> to vector<2000x256xf32>
    %add3A_308 = arith.addf %dot_general3A_305, %add3A_307 : vector<2000x256xf32>
    %add3A_309 = arith.addf %add3A_240, %add3A_308 : vector<2000x256xf32>
    %get3A_310 = arith.constant 1 : index
    %get3A_311 = arith.constant 0 : index
    %get3A_312 = arith.constant 0 : index
    %get3A_313 = vector.load %arg10[%get3A_310, %get3A_311, %get3A_312] : memref<2x256x256xf32, #tpu.memory_space<vmem>>, vector<1x256x256xf32>
    %get3A_314 = vector.shape_cast %get3A_313 : vector<1x256x256xf32> to vector<256x256xf32>
    %get3A_315 = arith.constant 1 : index
    %get3A_316 = arith.constant 0 : index
    %get3A_317 = vector.load %arg11[%get3A_315, %get3A_316] : memref<2x256xf32, #tpu.memory_space<vmem>>, vector<1x256xf32>
    %get3A_318 = vector.shape_cast %get3A_317 : vector<1x256xf32> to vector<256xf32>
    %get3A_319 = arith.constant 1 : index
    %get3A_320 = arith.constant 0 : index
    %get3A_321 = arith.constant 0 : index
    %get3A_322 = vector.load %arg12[%get3A_319, %get3A_320, %get3A_321] : memref<2x256x256xf32, #tpu.memory_space<vmem>>, vector<1x256x256xf32>
    %get3A_323 = vector.shape_cast %get3A_322 : vector<1x256x256xf32> to vector<256x256xf32>
    %get3A_324 = arith.constant 1 : index
    %get3A_325 = arith.constant 0 : index
    %get3A_326 = vector.load %arg13[%get3A_324, %get3A_325] : memref<2x256xf32, #tpu.memory_space<vmem>>, vector<1x256xf32>
    %get3A_327 = vector.shape_cast %get3A_326 : vector<1x256xf32> to vector<256xf32>
    %custom_jvp_call3A_328 = arith.constant 0.000000e+00 : f32
    %max3A_329 = vector.broadcast %custom_jvp_call3A_328 : f32 to vector<2000x256xf32>
    %max3A_330 = arith.maximumf %add3A_309, %max3A_329 : vector<2000x256xf32>
    %sub3A_331 = vector.broadcast %custom_jvp_call3A_328 : f32 to vector<2000x256xf32>
    %sub3A_332 = arith.subf %add3A_309, %sub3A_331 : vector<2000x256xf32>
    %ne3A_333 = arith.cmpf one, %sub3A_332, %sub3A_332 : vector<2000x256xf32>
    %add3A_334 = vector.broadcast %custom_jvp_call3A_328 : f32 to vector<2000x256xf32>
    %add3A_335 = arith.addf %add3A_309, %add3A_334 : vector<2000x256xf32>
    %abs3A_336 = math.absf %sub3A_332 : vector<2000x256xf32>
    %neg3A_337 = arith.constant 0.000000e+00 : f32
    %neg3A_338 = vector.broadcast %neg3A_337 : f32 to vector<2000x256xf32>
    %neg3A_339 = arith.subf %neg3A_338, %abs3A_336 : vector<2000x256xf32>
    %exp3A_340 = math.exp %neg3A_339 : vector<2000x256xf32>
    %log1p3A_341 = math.log1p %exp3A_340 : vector<2000x256xf32>
    %add3A_342 = arith.addf %max3A_330, %log1p3A_341 : vector<2000x256xf32>
    %select_n3A_343 = arith.select %ne3A_333, %add3A_335, %add3A_342 : vector<2000x256xi1>, vector<2000x256xf32>
    %log3A_344 = arith.constant 2.000000e+00 : f32
    %log3A_345 = math.log %log3A_344 : f32
    %sub3A_346 = vector.broadcast %log3A_345 : f32 to vector<2000x256xf32>
    %sub3A_347 = arith.subf %select_n3A_343, %sub3A_346 : vector<2000x256xf32>
    %dot_general3A_348 = arith.constant dense<0.000000e+00> : vector<2000x256xf32>
    %dot_general3A_349 = tpu.matmul %sub3A_347, %get3A_314, %dot_general3A_348 {dimension_numbers = #tpu.dot_dimension_numbers<[1], [1], [0], [0], [0, 0, 1, 0], [], []>, transpose_lhs_hint = false} : vector<2000x256xf32>, vector<256x256xf32>, vector<2000x256xf32> -> vector<2000x256xf32>
    %broadcast_in_dim3A_350 = vector.shape_cast %get3A_318 : vector<256xf32> to vector<1x256xf32>
    %add3A_351 = vector.broadcast %broadcast_in_dim3A_350 : vector<1x256xf32> to vector<2000x256xf32>
    %add3A_352 = arith.addf %dot_general3A_349, %add3A_351 : vector<2000x256xf32>
    %custom_jvp_call3A_353 = arith.constant 0.000000e+00 : f32
    %max3A_354 = vector.broadcast %custom_jvp_call3A_353 : f32 to vector<2000x256xf32>
    %max3A_355 = arith.maximumf %add3A_352, %max3A_354 : vector<2000x256xf32>
    %sub3A_356 = vector.broadcast %custom_jvp_call3A_353 : f32 to vector<2000x256xf32>
    %sub3A_357 = arith.subf %add3A_352, %sub3A_356 : vector<2000x256xf32>
    %ne3A_358 = arith.cmpf one, %sub3A_357, %sub3A_357 : vector<2000x256xf32>
    %add3A_359 = vector.broadcast %custom_jvp_call3A_353 : f32 to vector<2000x256xf32>
    %add3A_360 = arith.addf %add3A_352, %add3A_359 : vector<2000x256xf32>
    %abs3A_361 = math.absf %sub3A_357 : vector<2000x256xf32>
    %neg3A_362 = arith.constant 0.000000e+00 : f32
    %neg3A_363 = vector.broadcast %neg3A_362 : f32 to vector<2000x256xf32>
    %neg3A_364 = arith.subf %neg3A_363, %abs3A_361 : vector<2000x256xf32>
    %exp3A_365 = math.exp %neg3A_364 : vector<2000x256xf32>
    %log1p3A_366 = math.log1p %exp3A_365 : vector<2000x256xf32>
    %add3A_367 = arith.addf %max3A_355, %log1p3A_366 : vector<2000x256xf32>
    %select_n3A_368 = arith.select %ne3A_358, %add3A_360, %add3A_367 : vector<2000x256xi1>, vector<2000x256xf32>
    %log3A_369 = arith.constant 2.000000e+00 : f32
    %log3A_370 = math.log %log3A_369 : f32
    %sub3A_371 = vector.broadcast %log3A_370 : f32 to vector<2000x256xf32>
    %sub3A_372 = arith.subf %select_n3A_368, %sub3A_371 : vector<2000x256xf32>
    %dot_general3A_373 = arith.constant dense<0.000000e+00> : vector<2000x256xf32>
    %dot_general3A_374 = tpu.matmul %sub3A_372, %get3A_323, %dot_general3A_373 {dimension_numbers = #tpu.dot_dimension_numbers<[1], [1], [0], [0], [0, 0, 1, 0], [], []>, transpose_lhs_hint = false} : vector<2000x256xf32>, vector<256x256xf32>, vector<2000x256xf32> -> vector<2000x256xf32>
    %broadcast_in_dim3A_375 = vector.shape_cast %get3A_327 : vector<256xf32> to vector<1x256xf32>
    %add3A_376 = vector.broadcast %broadcast_in_dim3A_375 : vector<1x256xf32> to vector<2000x256xf32>
    %add3A_377 = arith.addf %dot_general3A_374, %add3A_376 : vector<2000x256xf32>
    %add3A_378 = arith.addf %add3A_309, %add3A_377 : vector<2000x256xf32>
    %swap3A = arith.constant 0 : index
    %swap3A_379 = arith.constant 0 : index
    %swap3A_380 = vector.load %arg20[%swap3A, %swap3A_379] : memref<2000x256xf32, #tpu.memory_space<vmem>>, vector<2000x256xf32>
    tpu.vector_store %arg20[%swap3A, %swap3A_379], %add3A_378 {strides = array<i32>} : memref<2000x256xf32, #tpu.memory_space<vmem>>, vector<2000x256xf32>,
    %get3A_381 = arith.constant 0 : index
    %get3A_382 = arith.constant 0 : index
    %get3A_383 = arith.constant 0 : index
    %get3A_384 = vector.load %arg14[%get3A_381, %get3A_382, %get3A_383] : memref<1x256x256xf32, #tpu.memory_space<vmem>>, vector<1x256x256xf32>
    %get3A_385 = vector.shape_cast %get3A_384 : vector<1x256x256xf32> to vector<256x256xf32>
    %get3A_386 = arith.constant 0 : index
    %get3A_387 = arith.constant 0 : index
    %get3A_388 = vector.load %arg15[%get3A_386, %get3A_387] : memref<1x256xf32, #tpu.memory_space<vmem>>, vector<1x256xf32>
    %get3A_389 = vector.shape_cast %get3A_388 : vector<1x256xf32> to vector<256xf32>
    %get3A_390 = arith.constant 0 : index
    %get3A_391 = arith.constant 0 : index
    %get3A_392 = arith.constant 0 : index
    %get3A_393 = vector.load %arg16[%get3A_390, %get3A_391, %get3A_392] : memref<1x256x256xf32, #tpu.memory_space<vmem>>, vector<1x256x256xf32>
    %get3A_394 = vector.shape_cast %get3A_393 : vector<1x256x256xf32> to vector<256x256xf32>
    %get3A_395 = arith.constant 0 : index
    %get3A_396 = arith.constant 0 : index
    %get3A_397 = vector.load %arg17[%get3A_395, %get3A_396] : memref<1x256xf32, #tpu.memory_space<vmem>>, vector<1x256xf32>
    %get3A_398 = vector.shape_cast %get3A_397 : vector<1x256xf32> to vector<256xf32>
    %custom_jvp_call3A_399 = arith.constant 0.000000e+00 : f32
    %max3A_400 = vector.broadcast %custom_jvp_call3A_399 : f32 to vector<2000x256xf32>
    %max3A_401 = arith.maximumf %add3A_378, %max3A_400 : vector<2000x256xf32>
    %sub3A_402 = vector.broadcast %custom_jvp_call3A_399 : f32 to vector<2000x256xf32>
    %sub3A_403 = arith.subf %add3A_378, %sub3A_402 : vector<2000x256xf32>
    %ne3A_404 = arith.cmpf one, %sub3A_403, %sub3A_403 : vector<2000x256xf32>
    %add3A_405 = vector.broadcast %custom_jvp_call3A_399 : f32 to vector<2000x256xf32>
    %add3A_406 = arith.addf %add3A_378, %add3A_405 : vector<2000x256xf32>
    %abs3A_407 = math.absf %sub3A_403 : vector<2000x256xf32>
    %neg3A_408 = arith.constant 0.000000e+00 : f32
    %neg3A_409 = vector.broadcast %neg3A_408 : f32 to vector<2000x256xf32>
    %neg3A_410 = arith.subf %neg3A_409, %abs3A_407 : vector<2000x256xf32>
    %exp3A_411 = math.exp %neg3A_410 : vector<2000x256xf32>
    %log1p3A_412 = math.log1p %exp3A_411 : vector<2000x256xf32>
    %add3A_413 = arith.addf %max3A_401, %log1p3A_412 : vector<2000x256xf32>
    %select_n3A_414 = arith.select %ne3A_404, %add3A_406, %add3A_413 : vector<2000x256xi1>, vector<2000x256xf32>
    %log3A_415 = arith.constant 2.000000e+00 : f32
    %log3A_416 = math.log %log3A_415 : f32
    %sub3A_417 = vector.broadcast %log3A_416 : f32 to vector<2000x256xf32>
    %sub3A_418 = arith.subf %select_n3A_414, %sub3A_417 : vector<2000x256xf32>
    %dot_general3A_419 = arith.constant dense<0.000000e+00> : vector<2000x256xf32>
    %dot_general3A_420 = tpu.matmul %sub3A_418, %get3A_385, %dot_general3A_419 {dimension_numbers = #tpu.dot_dimension_numbers<[1], [1], [0], [0], [0, 0, 1, 0], [], []>, transpose_lhs_hint = false} : vector<2000x256xf32>, vector<256x256xf32>, vector<2000x256xf32> -> vector<2000x256xf32>
    %broadcast_in_dim3A_421 = vector.shape_cast %get3A_389 : vector<256xf32> to vector<1x256xf32>
    %add3A_422 = vector.broadcast %broadcast_in_dim3A_421 : vector<1x256xf32> to vector<2000x256xf32>
    %add3A_423 = arith.addf %dot_general3A_420, %add3A_422 : vector<2000x256xf32>
    %custom_jvp_call3A_424 = arith.constant 0.000000e+00 : f32
    %max3A_425 = vector.broadcast %custom_jvp_call3A_424 : f32 to vector<2000x256xf32>
    %max3A_426 = arith.maximumf %add3A_423, %max3A_425 : vector<2000x256xf32>
    %sub3A_427 = vector.broadcast %custom_jvp_call3A_424 : f32 to vector<2000x256xf32>
    %sub3A_428 = arith.subf %add3A_423, %sub3A_427 : vector<2000x256xf32>
    %ne3A_429 = arith.cmpf one, %sub3A_428, %sub3A_428 : vector<2000x256xf32>
    %add3A_430 = vector.broadcast %custom_jvp_call3A_424 : f32 to vector<2000x256xf32>
    %add3A_431 = arith.addf %add3A_423, %add3A_430 : vector<2000x256xf32>
    %abs3A_432 = math.absf %sub3A_428 : vector<2000x256xf32>
    %neg3A_433 = arith.constant 0.000000e+00 : f32
    %neg3A_434 = vector.broadcast %neg3A_433 : f32 to vector<2000x256xf32>
    %neg3A_435 = arith.subf %neg3A_434, %abs3A_432 : vector<2000x256xf32>
    %exp3A_436 = math.exp %neg3A_435 : vector<2000x256xf32>
    %log1p3A_437 = math.log1p %exp3A_436 : vector<2000x256xf32>
    %add3A_438 = arith.addf %max3A_426, %log1p3A_437 : vector<2000x256xf32>
    %select_n3A_439 = arith.select %ne3A_429, %add3A_431, %add3A_438 : vector<2000x256xi1>, vector<2000x256xf32>
    %log3A_440 = arith.constant 2.000000e+00 : f32
    %log3A_441 = math.log %log3A_440 : f32
    %sub3A_442 = vector.broadcast %log3A_441 : f32 to vector<2000x256xf32>
    %sub3A_443 = arith.subf %select_n3A_439, %sub3A_442 : vector<2000x256xf32>
    %dot_general3A_444 = arith.constant dense<0.000000e+00> : vector<2000x256xf32>
    %dot_general3A_445 = tpu.matmul %sub3A_443, %get3A_394, %dot_general3A_444 {dimension_numbers = #tpu.dot_dimension_numbers<[1], [1], [0], [0], [0, 0, 1, 0], [], []>, transpose_lhs_hint = false} : vector<2000x256xf32>, vector<256x256xf32>, vector<2000x256xf32> -> vector<2000x256xf32>
    %broadcast_in_dim3A_446 = vector.shape_cast %get3A_398 : vector<256xf32> to vector<1x256xf32>
    %add3A_447 = vector.broadcast %broadcast_in_dim3A_446 : vector<1x256xf32> to vector<2000x256xf32>
    %add3A_448 = arith.addf %dot_general3A_445, %add3A_447 : vector<2000x256xf32>
    %add3A_449 = arith.addf %add3A_378, %add3A_448 : vector<2000x256xf32>
    %custom_jvp_call3A_450 = arith.constant 0.000000e+00 : f32
    %max3A_451 = vector.broadcast %custom_jvp_call3A_450 : f32 to vector<2000x256xf32>
    %max3A_452 = arith.maximumf %add3A_449, %max3A_451 : vector<2000x256xf32>
    %sub3A_453 = vector.broadcast %custom_jvp_call3A_450 : f32 to vector<2000x256xf32>
    %sub3A_454 = arith.subf %add3A_449, %sub3A_453 : vector<2000x256xf32>
    %ne3A_455 = arith.cmpf one, %sub3A_454, %sub3A_454 : vector<2000x256xf32>
    %add3A_456 = vector.broadcast %custom_jvp_call3A_450 : f32 to vector<2000x256xf32>
    %add3A_457 = arith.addf %add3A_449, %add3A_456 : vector<2000x256xf32>
    %abs3A_458 = math.absf %sub3A_454 : vector<2000x256xf32>
    %neg3A_459 = arith.constant 0.000000e+00 : f32
    %neg3A_460 = vector.broadcast %neg3A_459 : f32 to vector<2000x256xf32>
    %neg3A_461 = arith.subf %neg3A_460, %abs3A_458 : vector<2000x256xf32>
    %exp3A_462 = math.exp %neg3A_461 : vector<2000x256xf32>
    %log1p3A_463 = math.log1p %exp3A_462 : vector<2000x256xf32>
    %add3A_464 = arith.addf %max3A_452, %log1p3A_463 : vector<2000x256xf32>
    %select_n3A_465 = arith.select %ne3A_455, %add3A_457, %add3A_464 : vector<2000x256xi1>, vector<2000x256xf32>
    %log3A_466 = arith.constant 2.000000e+00 : f32
    %log3A_467 = math.log %log3A_466 : f32
    %sub3A_468 = vector.broadcast %log3A_467 : f32 to vector<2000x256xf32>
    %sub3A_469 = arith.subf %select_n3A_465, %sub3A_468 : vector<2000x256xf32>
    %swap3A_470 = arith.constant 0 : index
    %swap3A_471 = arith.constant 0 : index
    %swap3A_472 = vector.load %arg21[%swap3A_470, %swap3A_471] : memref<2000x256xf32, #tpu.memory_space<vmem>>, vector<2000x256xf32>
    tpu.vector_store %arg21[%swap3A_470, %swap3A_471], %sub3A_469 {strides = array<i32>} : memref<2000x256xf32, #tpu.memory_space<vmem>>, vector<2000x256xf32>,
    %get3A_473 = arith.constant 0 : index
    %get3A_474 = arith.constant 0 : index
    %get3A_475 = vector.load %arg18[%get3A_473, %get3A_474] : memref<2x256xf32, #tpu.memory_space<vmem>>, vector<2x256xf32>
    %dot_general3A_476 = arith.constant dense<0.000000e+00> : vector<2000x2xf32>
    %dot_general3A_477 = tpu.matmul %sub3A_469, %get3A_475, %dot_general3A_476 {dimension_numbers = #tpu.dot_dimension_numbers<[1], [1], [0], [0], [0, 0, 1, 0], [], []>, transpose_lhs_hint = false} : vector<2000x256xf32>, vector<2x256xf32>, vector<2000x2xf32> -> vector<2000x2xf32>
    %swap3A_478 = arith.constant 0 : index
    %swap3A_479 = arith.constant 0 : index
    %swap3A_480 = vector.load %arg19[%swap3A_478, %swap3A_479] : memref<2000x2xf32, #tpu.memory_space<vmem>>, vector<2000x2xf32>
    tpu.vector_store %arg19[%swap3A_478, %swap3A_479], %dot_general3A_477 {strides = array<i32>} : memref<2000x2xf32, #tpu.memory_space<vmem>>, vector<2000x2xf32>,
    return
  }
  func.func @transform_0(%arg0: i32) -> (i32, i32, i32) {
    %c0_i32 = arith.constant 0 : i32
    %c0_i32_0 = arith.constant 0 : i32
    %c0_i32_1 = arith.constant 0 : i32
    return %c0_i32, %arg0, %c0_i32_0 : i32, i32, i32
  }
  func.func @transform_1(%arg0: i32) -> (i32, i32) {
    %c0_i32 = arith.constant 0 : i32
    %c0_i32_0 = arith.constant 0 : i32
    return %arg0, %c0_i32 : i32, i32
  }
  func.func @transform_2(%arg0: i32) -> (i32, i32) {
    %c0_i32 = arith.constant 0 : i32
    %c0_i32_0 = arith.constant 0 : i32
    %c0_i32_1 = arith.constant 0 : i32
    return %c0_i32, %c0_i32_0 : i32, i32
  }
  func.func @transform_3(%arg0: i32) -> (i32, i32) {
    %c0_i32 = arith.constant 0 : i32
    %c0_i32_0 = arith.constant 0 : i32
    %c0_i32_1 = arith.constant 0 : i32
    return %c0_i32, %c0_i32_0 : i32, i32
  }
  func.func @transform_4(%arg0: i32) -> (i32, i32) {
    %c0_i32 = arith.constant 0 : i32
    %c0_i32_0 = arith.constant 0 : i32
    %c0_i32_1 = arith.constant 0 : i32
    return %c0_i32, %c0_i32_0 : i32, i32
  }
  func.func @transform_5(%arg0: i32) -> (i32, i32, i32) {
    %c0_i32 = arith.constant 0 : i32
    %c0_i32_0 = arith.constant 0 : i32
    %c0_i32_1 = arith.constant 0 : i32
    %c0_i32_2 = arith.constant 0 : i32
    return %c0_i32, %c0_i32_0, %c0_i32_1 : i32, i32, i32
  }
  func.func @transform_6(%arg0: i32) -> (i32, i32) {
    %c0_i32 = arith.constant 0 : i32
    %c0_i32_0 = arith.constant 0 : i32
    %c0_i32_1 = arith.constant 0 : i32
    return %c0_i32, %c0_i32_0 : i32, i32
  }
  func.func @transform_7(%arg0: i32) -> (i32, i32, i32) {
    %c0_i32 = arith.constant 0 : i32
    %c0_i32_0 = arith.constant 0 : i32
    %c0_i32_1 = arith.constant 0 : i32
    %c0_i32_2 = arith.constant 0 : i32
    return %c0_i32, %c0_i32_0, %c0_i32_1 : i32, i32, i32
  }
  func.func @transform_8(%arg0: i32) -> (i32, i32) {
    %c0_i32 = arith.constant 0 : i32
    %c0_i32_0 = arith.constant 0 : i32
    %c0_i32_1 = arith.constant 0 : i32
    return %c0_i32, %c0_i32_0 : i32, i32
  }
  func.func @transform_9(%arg0: i32) -> (i32, i32, i32) {
    %c0_i32 = arith.constant 0 : i32
    %c0_i32_0 = arith.constant 0 : i32
    %c0_i32_1 = arith.constant 0 : i32
    %c0_i32_2 = arith.constant 0 : i32
    return %c0_i32, %c0_i32_0, %c0_i32_1 : i32, i32, i32
  }
  func.func @transform_10(%arg0: i32) -> (i32, i32) {
    %c0_i32 = arith.constant 0 : i32
    %c0_i32_0 = arith.constant 0 : i32
    %c0_i32_1 = arith.constant 0 : i32
    return %c0_i32, %c0_i32_0 : i32, i32
  }
  func.func @transform_11(%arg0: i32) -> (i32, i32, i32) {
    %c0_i32 = arith.constant 0 : i32
    %c0_i32_0 = arith.constant 0 : i32
    %c0_i32_1 = arith.constant 0 : i32
    %c0_i32_2 = arith.constant 0 : i32
    return %c0_i32, %c0_i32_0, %c0_i32_1 : i32, i32, i32
  }
  func.func @transform_12(%arg0: i32) -> (i32, i32) {
    %c0_i32 = arith.constant 0 : i32
    %c0_i32_0 = arith.constant 0 : i32
    %c0_i32_1 = arith.constant 0 : i32
    return %c0_i32, %c0_i32_0 : i32, i32
  }
  func.func @transform_13(%arg0: i32) -> (i32, i32, i32) {
    %c0_i32 = arith.constant 0 : i32
    %c0_i32_0 = arith.constant 0 : i32
    %c0_i32_1 = arith.constant 0 : i32
    %c0_i32_2 = arith.constant 0 : i32
    return %c0_i32, %c0_i32_0, %c0_i32_1 : i32, i32, i32
  }
  func.func @transform_14(%arg0: i32) -> (i32, i32) {
    %c0_i32 = arith.constant 0 : i32
    %c0_i32_0 = arith.constant 0 : i32
    %c0_i32_1 = arith.constant 0 : i32
    return %c0_i32, %c0_i32_0 : i32, i32
  }
  func.func @transform_15(%arg0: i32) -> (i32, i32, i32) {
    %c0_i32 = arith.constant 0 : i32
    %c0_i32_0 = arith.constant 0 : i32
    %c0_i32_1 = arith.constant 0 : i32
    %c0_i32_2 = arith.constant 0 : i32
    return %c0_i32, %c0_i32_0, %c0_i32_1 : i32, i32, i32
  }
  func.func @transform_16(%arg0: i32) -> (i32, i32) {
    %c0_i32 = arith.constant 0 : i32
    %c0_i32_0 = arith.constant 0 : i32
    %c0_i32_1 = arith.constant 0 : i32
    return %c0_i32, %c0_i32_0 : i32, i32
  }
  func.func @transform_17(%arg0: i32) -> (i32, i32) {
    %c0_i32 = arith.constant 0 : i32
    %c0_i32_0 = arith.constant 0 : i32
    %c0_i32_1 = arith.constant 0 : i32
    return %c0_i32, %c0_i32_0 : i32, i32
  }
  func.func @transform_18(%arg0: i32) -> (i32, i32) {
    %c0_i32 = arith.constant 0 : i32
    %c0_i32_0 = arith.constant 0 : i32
    return %arg0, %c0_i32 : i32, i32
  }
  func.func @transform_19(%arg0: i32) -> (i32, i32) {
    %c0_i32 = arith.constant 0 : i32
    %c0_i32_0 = arith.constant 0 : i32
    return %arg0, %c0_i32 : i32, i32
  }
  func.func @transform_20(%arg0: i32) -> (i32, i32) {
    %c0_i32 = arith.constant 0 : i32
    %c0_i32_0 = arith.constant 0 : i32
    return %arg0, %c0_i32 : i32, i32
  }
}

</mosaic_0001>

<sc_bundles>
// kernel: kernel.6.cloned.1.call-start
scs
__scs_entry_jumppad:
0x0: {  	(pc) =	sbr.rel $0x88, $3  }
0x1: {  	(tag) =	ssettag $0x0;
	lr =	simm.s32 $0x1  }
0x2: {  	[smem:$0x3F89] =	sst lr;
	_ =	strace $0xD0000000  }
0x3: {  	_ = 	snop  }
0x4: {  	_ = 	snop  }
0x5: {  	_ = 	snop  }
0x6: {  	_ = 	snop  }
0x7: {  	_ = 	snop  }
__scs_overlays_trampoline_lowered:
0x8: {  	[smem:$0x3F98] =	sst s0  }
0x9: {  	[smem:$0x3F99] =	sst s1  }
0xa: {  	[smem:$0x3F9A] =	sst s2  }
0xb: {  	[smem:$0x3F9B] =	sst s3  }
0xc: {  	[smem:$0x3F9C] =	sst s4  }
0xd: {  	[smem:$0x3F9D] =	sst s5  }
0xe: {  	[smem:$0x3F9E] =	sst s6  }
0xf: {  	[smem:$0x3F9F] =	sst s7  }
0x10: {  	[smem:$0x3FA0] =	sst s8  }
0x11: {  	[smem:$0x3FA1] =	sst s9;
	s0 =	simm.s32 @!p0 $0x0  }
0x12: {  	s1 =	sld [smem:$0x3F87];
	s0 =	simm.s32 @p0 $0x1  }
0x13: {  	[smem:$0x3FA2] =	sst s0;
	s0 =	simm.s32 @!p1 $0x0  }
0x14: {  	s2 =	sld [smem:$0x3F86];
	s0 =	simm.s32 @p1 $0x1  }
0x15: {  	[smem:$0x3FA3] =	sst s0;
	s0 =	simm.s32 @!p2 $0x0  }
0x16: {  	s3 =	sld [smem:$0x3FDB];
	s0 =	simm.s32 @p2 $0x1  }
0x17: {  	s4 =	simm.s32 $0x1BF5;
	[smem:$0x3FA5] =	sst s0  }
0x18: {  	s0 =	sld [smem:$0x3F88];
	_ =	swait.ge [sflag:s4], $0x0  }
0x19: {  	s7 =	sld [smem:$0x3F89]  }
0x1a: {  	s8 =	sadd.s32 $0xFFFFE003, lr  }
0x1b: {  	s9 =	sadd.s32 $0xFFFFFEF7, lr;
	s5 =	simm.s32 $0xFFFFFFFF;
	p2 =	slt.u32 s8, $0xFFFFF086  }
0x1c: {  	p1 =	slt.u32 s9, $0xF7A;
	s5 =	simm.s32 @!p2 $0x0  }
0x1d: {  	s5 =	simm.s32 @p1 $0x1;
	p0 =	seq.s32 s7, s2  }
0x1e: {  	s7 =	smul.u32 @!p0 $0xF7A, s2;
	p2 =	seq.s32 @!p0 s5, $0x0  }
0x1f: {  	s9 =	smul.u32 $0xF7A, s1;
	s8 =	simm.s32 @!p0 $0x1BF5;
	p2 =	por !p2, p0  }
0x20: {  	[sflag:s8] =	ssyncset.s32 @!p0 $0xFFFFF086;
	s6 =	sadd.s32 @!p0 s3, s7;
	s7 =	simm.s32 @!p0 $0x108  }
0x21: {  	s3 =	sadd.s32 s3, s9;
	s6 =	sadd.s32 @!p0 $0x88, s6;
	s7 =	simm.s32 @p2 $0x1082  }
0x22: {  	[simem:s7], [sflag:s8] =	dma.local @!p0 [hbm:s6], $0xF7A  }
0x23: {  	s9 =	sor.u32 $0xD0000000, s2;
	s6 =	simm.s32 $0x108;
	_ =	swait.ge @!p0 [sflag:s8], $0x0  }
0x24: {  	s3 =	sadd.s32 $0x88, s3;
	s6 =	simm.s32 @!p1 $0x1082;
	[sflag:s4] =	ssyncset.s32 $0xFFFFF086  }
0x25: {  	[simem:s6], [sflag:s4] =	dma.local [hbm:s3], $0xF7A  }
0x26: {  	[smem:$0x3F89] =	sst s1;
	(tag) =	ssettag s2;
	_ =	strace s9  }
0x27: {  	s1 =	sld [smem:$0x3F99]  }
0x28: {  	s2 =	sld [smem:$0x3F9A]  }
0x29: {  	s4 =	sld [smem:$0x3F9C]  }
0x2a: {  	p0 =	seq.s32 s5, $0x0;
	s5 =	sld [smem:$0x3F9D]  }
0x2b: {  	s6 =	sld [smem:$0x3F9E]  }
0x2c: {  	s7 =	sld [smem:$0x3F9F]  }
0x2d: {  	s3 =	simm.s32 $0x108;
	s8 =	sld [smem:$0x3FA0]  }
0x2e: {  	s3 =	simm.s32 @!p0 $0x1082;
	s9 =	sld [smem:$0x3FA1]  }
0x2f: {  	lr =	sadd.s32 s0, s3;
	s0 =	sld [smem:$0x3F98]  }
0x30: {  	s3 =	sld [smem:$0x3F9B]  }
0x31: {  	[smem:$0x3FA4] =	sst s10  }
0x32: {  	s10 =	sld [smem:$0x3FA2];
	_ =	sdelay $0x3  }
0x33: {  	p0 =	seq.s32 s10, $0x1;
	s10 =	sld [smem:$0x3FA4];
	_ =	sdelay $0x3  }
0x34: {  	[smem:$0x3FA4] =	sst s10  }
0x35: {  	s10 =	sld [smem:$0x3FA3];
	_ =	sdelay $0x3  }
0x36: {  	p1 =	seq.s32 s10, $0x1;
	s10 =	sld [smem:$0x3FA4];
	_ =	sdelay $0x3  }
0x37: {  	[smem:$0x3FA4] =	sst s10  }
0x38: {  	s10 =	sld [smem:$0x3FA5]  }
0x39: {  	_ = 	snop;
	(pc) =	sbr.ind lr, $3  }
0x3a: {  	_ = 	snop  }
0x3b: {  	_ = 	snop  }
0x3c: {  	p2 =	seq.s32 s10, $0x1;
	s10 =	sld [smem:$0x3FA4]  }
0x3d: {  	_ =	shalt  }
0x3e: {  	_ =	shalt  }
0x3f: {  	_ =	shalt  }
0x40: {  	_ =	shalt  }
0x41: {  	_ =	shalt  }
0x42: {  	_ =	shalt  }
0x43: {  	_ =	shalt  }
0x44: {  	_ =	shalt  }
0x45: {  	_ =	shalt  }
0x46: {  	_ =	shalt  }
0x47: {  	_ =	shalt  }
0x48: {  	_ =	shalt  }
0x49: {  	_ =	shalt  }
0x4a: {  	_ =	shalt  }
0x4b: {  	_ =	shalt  }
0x4c: {  	_ =	shalt  }
0x4d: {  	_ =	shalt  }
0x4e: {  	_ =	shalt  }
0x4f: {  	_ =	shalt  }
0x50: {  	_ =	shalt  }
0x51: {  	_ =	shalt  }
0x52: {  	_ =	shalt  }
0x53: {  	_ =	shalt  }
0x54: {  	_ =	shalt  }
0x55: {  	_ =	shalt  }
0x56: {  	_ =	shalt  }
0x57: {  	_ =	shalt  }
0x58: {  	_ =	shalt  }
0x59: {  	_ =	shalt  }
0x5a: {  	_ =	shalt  }
0x5b: {  	_ =	shalt  }
0x5c: {  	_ =	shalt  }
0x5d: {  	_ =	shalt  }
0x5e: {  	_ =	shalt  }
0x5f: {  	_ =	shalt  }
0x60: {  	_ =	shalt  }
0x61: {  	_ =	shalt  }
0x62: {  	_ =	shalt  }
0x63: {  	_ =	shalt  }
0x64: {  	_ =	shalt  }
0x65: {  	_ =	shalt  }
0x66: {  	_ =	shalt  }
0x67: {  	_ =	shalt  }
0x68: {  	_ =	shalt  }
0x69: {  	_ =	shalt  }
0x6a: {  	_ =	shalt  }
0x6b: {  	_ =	shalt  }
0x6c: {  	_ =	shalt  }
0x6d: {  	_ =	shalt  }
0x6e: {  	_ =	shalt  }
0x6f: {  	_ =	shalt  }
0x70: {  	_ =	shalt  }
0x71: {  	_ =	shalt  }
0x72: {  	_ =	shalt  }
0x73: {  	_ =	shalt  }
0x74: {  	_ =	shalt  }
0x75: {  	_ =	shalt  }
0x76: {  	_ =	shalt  }
0x77: {  	_ =	shalt  }
0x78: {  	_ =	shalt  }
0x79: {  	_ =	shalt  }
0x7a: {  	_ =	shalt  }
0x7b: {  	_ =	shalt  }
0x7c: {  	_ =	shalt  }
0x7d: {  	_ =	shalt  }
0x7e: {  	_ =	shalt  }
0x7f: {  	_ =	shalt  }
0x80: {  	_ =	shalt  }
0x81: {  	_ =	shalt  }
0x82: {  	_ =	shalt  }
0x83: {  	_ =	shalt  }
0x84: {  	_ =	shalt  }
0x85: {  	_ =	shalt  }
0x86: {  	_ =	shalt  }
0x87: {  	_ =	shalt  }
.Lfunc_end0:
.L_simem_size_0:
called_computation_lowered:
.L_overlay_start_0:
0x88: {  	s2 =	sld [smem:$0x3FD9]  }
0x89: {  	s3 =	sld [smem:$0x3FFE];
	_ =	sdelay $0x1  }
0x8a: {  	s1 =	srdreg.scid  }
0x8b: {  	s0 =	sand.u32 $0x1, s1  }
0x8c: {  	s14 =	sshll.u32 s0, $0xA;
	s2 =	sadd.s32 s3, s2  }
0x8d: {  	s2 =	sadd.s32 s2, s14  }
0x8e: {  	[smem:$0x3FB0] =	sst s2  }
0x8f: {  	_ = 	snop  }
0x90: {  	s2 =	sld [smem:$0x3FD0];
	_ =	sdelay $0x2  }
0x91: {  	s15 =	simm.s32 $0xA;
	s4 =	simm.s32 $0x10  }
0x92: {  	[smem:s4], [sflag:s15] =	dma.local [hbm:s2], $0x1  }
0x93: {  	_ =	swait.eq [sflag:s15], $0x1  }
0x94: {  	[sflag:s15] =	ssyncset.done $0x0  }
0x95: {  	s16 =	sld [smem:$0x11];
	[sflag:s15] =	ssyncadd.s32 $0xFFFFFFFF  }
0x96: {  	s17 =	sld [smem:$0x12];
	(tm) =	ssettm $0x1  }
0x97: {  	s18 =	sld [smem:$0x3FFB];
	_ =	sdelay $0x3  }
0x98: {  	_ =	strace s18  }
0x99: {  	s4 =	sld [smem:$0x3FFC];
	_ =	sdelay $0x3  }
0x9a: {  	_ =	strace s4  }
0x9b: {  	s4 =	sld [smem:$0x3FFD];
	_ =	sdelay $0x3  }
0x9c: {  	_ =	strace s4  }
0x9d: {  	_ =	strace $0x8FFFFFFF  }
0x9e: {  	s19 =	sld [smem:$0x3FDB];
	_ =	sdelay $0x1  }
0x9f: {  	s5 =	simm.s32 $_scs_section_size  }
0xa0: {  	s6 =	simm.s32 $_size__tile_overlayer_lowered;
	s7 =	simm.s32 $_tile_overlayer_lowered  }
0xa1: {  	s22 =	simm.s32 $0x1BFF;
	s21 =	sshll.u32 s7, $0x1;
	s4 =	sadd.s32 s5, s19  }
0xa2: {  	s8 =	simm.s32 $0x0;
	s20 =	sshll.u32 s6, $0x1;
	s6 =	sadd.s32 s21, s4  }
0xa3: {  	[timem:s8], [sflag:s22] =	dma.local [hbm:s6], s20  }
0xa4: {  	_ =	swait.ge [sflag:s22], s20  }
0xa5: {  	s5 =	ssub.s32 $0x0, s20;
	[sflag:s22] =	ssyncset.done $0x0  }
0xa6: {  	[sflag:s22] =	ssyncadd.s32 s5;
	_ =	sdelay $0x1  }
0xa7: {  	s23 =	simm.s32 $0x1B8B  }
0xa8: {  	_ =	swait.ge [sflag:s23], $0x1  }
0xa9: {  	[sflag:s23] =	ssyncset.done $0x0  }
0xaa: {  	s25 =	simm.s32 $0x1B8E;
	s24 =	sld [smem:$0x3FFE];
	[sflag:s23] =	ssyncadd.s32 $0xFFFFFFFF  }
0xab: {  	s26 =	simm.s32 $execute0_lowered;
	[smem:$0x3FD2] =	sst s25  }
0xac: {  	s6 =	sshll.u32 s26, $0x1;
	_ =	strace $0x80000046;
	[dreg:$0x1] =	wrdreg $0xFFFFFFFF  }
0xad: {  	s28 =	simm.s32 $_size_execute0_lowered;
	s4 =	sadd.s32 s4, s6;
	[dreg:$0x0] =	wrdreg $0x0  }
0xae: {  	s6 =	sshll.u32 s28, $0x1;
	[dreg:$0x2] =	wrdreg s4  }
0xaf: {  	[dreg:$0x3] =	wrdreg s6  }
0xb0: {  	[dreg:$0x4] =	wrdreg $0xC0  }
0xb1: {  	_ =	task [dreg:s8], $0x5FFFF  }
0xb2: {  	[dreg:$0x1] =	wrdreg $0xFFFFFFFF  }
0xb3: {  	[dreg:$0x0] =	wrdreg $0x60  }
0xb4: {  	[dreg:$0x2] =	wrdreg s24  }
0xb5: {  	[dreg:$0x3] =	wrdreg s17  }
0xb6: {  	[dreg:$0x4] =	wrdreg s16  }
0xb7: {  	[dreg:$0x5] =	wrdreg $0xA2000  }
0xb8: {  	[dreg:$0x6] =	wrdreg $0x9  }
0xb9: {  	_ =	task.clear_ibuf [dreg:s8], $0x7FFFF;
	_ =	strace $0x90000046  }
0xba: {  	s29 =	simm.s32 $0x9;
	_ =	strace $0x80000048  }
0xbb: {  	_ =	swait.ge [sflag:s29], $0x1  }
0xbc: {  	[sflag:s29] =	ssyncadd.s32 $0xFFFFFFFF  }
0xbd: {  	_ =	strace $0x90000048  }
0xbe: {  	_ =	sfence  }
0xbf: {  	s30 =	sld [smem:$0x0];
	_ =	sdelay $0x2  }
0xc0: {  	s31 =	sshll.u32 s1, $0xD;
	s1 =	sshrl.u32 s1, $0x2  }
0xc1: {  	s3 =	sand.u32 $0x4000, s31;
	s1 =	sadd.s32 s1, s30  }
0xc2: {  	s0 =	sor.u32 s3, s0;
	s1 =	sshll.u32 s1, $0x11  }
0xc3: {  	s0 =	sor.u32 s1, s0  }
0xc4: {  	s0 =	sadd.s32 $0x8F2B, s0  }
0xc5: {  	[sflag:s0] =	ssyncadd.remote.s32 $0x1  }
0xc6: {  	_ =	sfence.sel $0xFFFF  }
0xc7: {  	[dreg:$0x0] =	wrdreg $0xFFFFFFFF;
	(pc) =	sbr.abs _section_cstart, $3  }
0xc8: {  	[dreg:$0x1] =	wrdreg $0xFFFFFFFF  }
0xc9: {  	_ =	task.clear_ibuf [dreg:s8], $0x2FFFF;
	_ =	strace $0x9FFFFFFF  }
0xca: {  	(tm) =	ssettm $0x7FFFFFFF  }
0xcb: {  	_ =	shalt  }
tec
execute0_lowered:
.L_overlay_start_1:
0x0: {  	(tag) =	ssettag $0x1  }
0x1: {  	s0 =	rddreg [dreg:$0x0]  }
0x2: {  	s1 =	rddreg [dreg:$0x1]  }
0x3: {  	s2 =	rddreg [dreg:$0x2]  }
0x4: {  	s3 =	rddreg [dreg:$0x3];
	s4 =	srdreg.scid;
	s5 =	simm.s32 $0x0  }
0x5: {  	s16 =	stileid.u32;
	s28 =	simm.s32 $0x100;
	s29 =	simm.s32 $0x6  }
0x6: {  	s30 =	simm.s32 $0x8;
	s31 =	simm.s32 $0x4;
	s8 =	smul.u32 $0x14000, s16  }
0x7: {  	s17 =	simm.s32 $0x5;
	s18 =	simm.s32 $0x7;
	s21 =	smul.u32 $0x50000, s16  }
0x8: {  	s19 =	simm.s32 $0x3;
	s4 =	sand.u32 $0x1, s4;
	s23 =	smul.u32 $0x140000, s16  }
0x9: {  	[smem:$0x7FF] =	sst s5;
	s6 =	sadd.s32 $0x53E00, s0;
	s15 =	smul.u32 $0x2800, s16  }
0xa: {  	s14 =	sshll.u32 s16, $0x6;
	s25 =	sshll.u32 s16, $0xB;
	s7 =	smul.u32 $0x140000, s4  }
0xb: {  	_ =	strace $0x80000047;
	s9 =	ssub.s32 $0x2, s4;
	s12 =	sshll.u32 s4, $0x12  }
0xc: {  	s20 =	sor.u32 $0x1C0B, s14;
	s14 =	simm.s32 $0x7A00;
	s10 =	sshrl.u32 s9, $0x1  }
0xd: {  	s22 =	sshrl.u32 s21, $0x2;
	s21 =	simm.s32 $0xB;
	[dreg:$0x7] =	wrdreg s20  }
0xe: {  	s8 =	sadd.s32 s8, s7;
	s7 =	sadd.s32 $0x4F4E00, s0;
	s11 =	ssub.s32 s9, s10  }
0xf: {  	s9 =	smul.u32 $0x1400000, s4;
	s4 =	sadd.s32 s22, s3;
	s8 =	sshrl.u32 s8, $0x3  }
0x10: {  	s22 =	simm.s32 $0x80;
	s26 =	smax.u32 s11, $0x1;
	s0 =	sadd.s32 s8, s0  }
0x11: {  	s8 =	sshll.u32 s16, $0xE;
	[dreg:$0xc] =	wrdreg s26;
	s16 =	simm.s32 $0x2  }
0x12: {  	s10 =	sor.u32 s8, s12;
	s13 =	sadd.s32 $0x3E00, s0;
	s12 =	sadd.s32 s23, s9  }
0x13: {  	s0 =	sadd.s32 $0xA3E00, s0;
	[dreg:$0x5] =	wrdreg s13;
	s24 =	sshrl.u32 s10, $0x3  }
0x14: {  	s12 =	sshrl.u32 s12, $0x3;
	[dreg:$0xb] =	wrdreg s0;
	s13 =	sadd.s32 s1, s24  }
.Ltmp0:
0x15: {  	s12 =	sadd.s32 s7, s12;
	[dreg:$0x6] =	wrdreg s13;
	(pc) =	sbr.rel .LBB2_1-.Ltmp0, $4  }
0x16: {  	s0 =	simm.s32 $0x180;
	s13 =	sadd.s32 $0x10, s13;
	[dreg:$0x9] =	wrdreg s12  }
0x17: {  	s24 =	simm.s32 $0x50;
	s12 =	sadd.s32 s2, s25;
	[dreg:$0x8] =	wrdreg s13  }
0x18: {  	s25 =	simm.s32 $0x200;
	[dreg:$0xa] =	wrdreg s12;
	s13 =	sshrl.u32 s4, $0x3  }
0x19: {  	s4 =	simm.s32 $0x2A00;
	s12 =	simm.s32 $0x0;
	[dreg:$0xd] =	wrdreg s13  }
.LBB2_10:
0x1a: {  	s11 =	simm.s32 $0x9  }
0x1b: {  	_ =	swait.ge [sflag:s11], $0x2800  }
0x1c: {  	[sflag:s11] =	ssyncset.done $0x0  }
0x1d: {  	s20 =	simm.s32 $0xA;
	[sflag:s11] =	ssyncadd.s32 $0xFFFFD800  }
0x1e: {  	_ =	swait.ge [sflag:s20], $0x2800  }
0x1f: {  	[sflag:s20] =	ssyncset.done $0x0  }
0x20: {  	[sflag:s20] =	ssyncadd.s32 $0xFFFFD800  }
0x21: {  	[bflag:$0x0] =	sbarrier.arrive $0xFFFF  }
0x22: {  	s20 =	rddreg [dreg:$0x7]  }
0x23: {  	s23 =	rddreg [dreg:$0xb]  }
0x24: {  	s13 =	rddreg [dreg:$0xd]  }
0x25: {  	[hbm:s23], [sflag:s20] =	dma.local [spmem:s13], $0x2800  }
0x26: {  	_ =	swait.ge [sflag:s21], $0x2800  }
0x27: {  	s12 =	sadd.s32 $0x1, s12;
	s26 =	rddreg [dreg:$0xc]  }
0x28: {  	p0 =	sne.s32 s12, s26  }
.Ltmp1:
0x29: {  	_ = 	snop;
	(pc) =	sbr.rel @!p0 .LBB2_11-.Ltmp1, $3  }
0x2a: {  	_ =	sdelay $0x1  }
0x2b: {  	[sflag:s21] =	ssyncset.done $0x0  }
0x2c: {  	[sflag:s21] =	ssyncadd.s32 $0xFFFFD800  }
.LBB2_1:
0x2d: {  	s11 =	rddreg [dreg:$0x5]  }
0x2e: {  	[spmem:s13], [sflag:s20] =	dma.local [hbm:s11], $0x2800  }
0x2f: {  	_ =	swait.ge [sflag:s21], $0x2800  }
0x30: {  	[sflag:s21] =	ssyncset.done $0x0  }
0x31: {  	[sflag:s21] =	ssyncadd.s32 $0xFFFFD800  }
0x32: {  	[bflag:$0x0] =	sbarrier.arrive $0xFFFF  }
0x33: {  	s23 =	rddreg [dreg:$0x6]  }
0x34: {  	[tilespmem:s5], [sflag:$0x1] =	stream.linear.gather [hbm4b:s23+s5], $0x80, $0x38;
	[tilespmem:$0x1E200] =	vst v63  }
0x35: {  	s13 =	simm.s32 $0x1;
	s26 =	rddreg [dreg:$0x8]  }
0x36: {  	[tilespmem:s22], [sflag:$0x2] =	stream.linear.gather [hbm4b:s26+s5], $0x80, $0x38;
	[tilespmem:$0x1E200] =	vst v63  }
0x37: {  	_ =	swait.ge [sflag:s13], $0x80  }
0x38: {  	[sflag:s13] =	ssyncset.done $0x0  }
0x39: {  	[sflag:s13] =	ssyncadd.s32 $0xFFFFFF80  }
0x3a: {  	[tilespmem:s25], [sflag:$0x5] =	stream.indirect.gather [hbm4b:s6+s24], $0x80, s5, s24, $0xb8;
	[tilespmem:$0x1E200] =	vst v63  }
.Ltmp2:
0x3b: {  	_ = 	snop;
	(pc) =	sbr.rel .LBB2_2-.Ltmp2, $4  }
0x3c: {  	s23 =	simm.s32 $0x5200;
	s20 =	rddreg [dreg:$0x9]  }
0x3d: {  	[tilespmem:s23], [sflag:$0x7] =	stream.linear.gather [hbm4b:s20+s5], $0x2800, $0x38;
	[tilespmem:$0x1E200] =	vst v63  }
0x3e: {  	s26 =	rddreg [dreg:$0xa];
	s23 =	simm.s32 $0x0  }
0x3f: {  	[tilespmem:s28], [sflag:$0x3] =	stream.linear.gather [hbm4b:s26+s5], $0x80, $0x38;
	[tilespmem:$0x1E200] =	vst v63  }
.LBB2_5:
0x40: {  	[tilespmem:s26+$0x200] =	vst v12;
	v5 =	vmul.f32 v5, v10;
	v63 =	vld [tilespmem:s26+$0x270]  }
0x41: {  	[tilespmem:s26+$0x210] =	vst v11;
	v4 =	vmul.f32 v4, v9  }
0x42: {  	v3 =	vmul.f32 v3, v8;
	[tilespmem:s26+$0x220] =	vst v5  }
0x43: {  	v2 =	vmul.f32 v2, v6;
	[tilespmem:s26+$0x230] =	vst v4  }
0x44: {  	v1 =	vmul.f32 v1, v7;
	[tilespmem:s26+$0x240] =	vst v3  }
0x45: {  	[tilespmem:s26+$0x250] =	vst v2;
	v0 =	vmul.f32 v0, v63  }
0x46: {  	[tilespmem:s26+$0x260] =	vst v1  }
0x47: {  	[tilespmem:s26+$0x270] =	vst v0  }
0x48: {  	_ =	swait.ge [sflag:s19], $0x80  }
0x49: {  	[sflag:s19] =	ssyncset.done $0x0  }
0x4a: {  	[sflag:s19] =	ssyncadd.s32 $0xFFFFFF80  }
0x4b: {  	[spmem:s3] =	stream.indirect.scatter.add.f32 [tilespmem:s25], [sflag:$0x9], $0x80, s28, s24, $0xb8;
	[tilespmem:$0x1E200] =	vst v63  }
.LBB2_9:
0x4c: {  	s23 =	sadd.s32 $0x1, s23  }
0x4d: {  	p0 =	sne.s32 s23, $0x80  }
.Ltmp3:
0x4e: {  	_ = 	snop;
	(pc) =	sbr.rel @!p0 .LBB2_10-.Ltmp3, $1  }
0x4f: {  	_ =	sdelay $0x3  }
.LBB2_2:
0x50: {  	s11 =	sand.u32 $0x1, s23  }
0x51: {  	p0 =	seq.s32 s11, $0x1  }
.Ltmp4:
0x52: {  	_ = 	snop;
	(pc) =	sbr.rel @!p0 .LBB2_3-.Ltmp4, $1  }
0x53: {  	_ =	sdelay $0x3  }
0x54: {  	p0 =	seq.s32 s23, $0x7F  }
0x55: {  	s11 =	sadd.s32 @!p0 $0x1, s23  }
0x56: {  	s13 =	smul.u32 @!p0 $0x50, s11;
	_ =	sdelay $0x1  }
0x57: {  	s13 =	sadd.s32 @!p0 s15, s13  }
0x58: {  	s13 =	sshll.u32 @!p0 s13, $0x7  }
0x59: {  	s13 =	sadd.s32 @!p0 s9, s13  }
0x5a: {  	s13 =	sshrl.u32 @!p0 s13, $0x3  }
0x5b: {  	s26 =	simm.s32 @!p0 $0x0;
	s20 =	simm.s32 @!p0 $0x5200;
	s13 =	sadd.s32 @!p0 s7, s13  }
0x5c: {  	[tilespmem:s20], [sflag:$0x7] =	stream.linear.gather @!p0 [hbm4b:s13+s26], $0x2800, $0x38;
	[tilespmem:$0x1E200] =	vst v63  }
0x5d: {  	s13 =	simm.s32 @!p0 $0x9  }
0x5e: {  	_ =	swait.ge @!p0 [sflag:s13], $0x2800  }
0x5f: {  	[sflag:s13] =	ssyncset.done @!p0 $0x0  }
0x60: {  	[sflag:s13] =	ssyncadd.s32 @!p0 $0xFFFFD800;
	s13 =	simm.s32 @!p0 $0x1  }
0x61: {  	_ =	swait.ge @!p0 [sflag:s13], $0x80  }
0x62: {  	s11 =	sshll.u32 @!p0 s11, $0x7;
	[sflag:s13] =	ssyncset.done @!p0 $0x0  }
0x63: {  	s20 =	simm.s32 @!p0 $0x200;
	[sflag:s13] =	ssyncadd.s32 @!p0 $0xFFFFFF80;
	s13 =	simm.s32 @!p0 $0x50  }
0x64: {  	[tilespmem:s20], [sflag:$0x5] =	stream.indirect.gather @!p0 [hbm4b:s6+s13], $0x80, s26, s13, $0xb8;
	[tilespmem:$0x1E200] =	vst v63  }
0x65: {  	s13 =	sand.u32 @!p0 $0x7C00, s11  }
0x66: {  	s11 =	sand.u32 @!p0 $0x300, s11;
	s13 =	sadd.s32 @!p0 s8, s13  }
0x67: {  	s11 =	sor.u32 @!p0 s11, s13  }
0x68: {  	s11 =	sshrl.u32 @!p0 s11, $0x3  }
0x69: {  	s13 =	simm.s32 @!p0 $0x100;
	s11 =	sadd.s32 @!p0 s2, s11  }
0x6a: {  	[tilespmem:s13], [sflag:$0x3] =	stream.linear.gather @!p0 [hbm4b:s11+s26], $0x80, $0x38;
	[tilespmem:$0x1E200] =	vst v63  }
0x6b: {  	p0 =	sgt.u32 s23, $0x7D  }
0x6c: {  	s11 =	sshll.u32 @!p0 s23, $0x7  }
0x6d: {  	s11 =	sadd.s32 @!p0 $0x100, s11  }
0x6e: {  	s13 =	sand.u32 @!p0 $0x7C00, s11  }
0x6f: {  	s11 =	sand.u32 @!p0 $0x380, s11;
	s13 =	sadd.s32 @!p0 s10, s13  }
0x70: {  	_ =	swait.ge [sflag:s29], $0x2800;
	s11 =	sor.u32 @!p0 s11, s13  }
0x71: {  	s20 =	simm.s32 @!p0 $0x80;
	[sflag:s29] =	ssyncset.done $0x0;
	s11 =	sshrl.u32 @!p0 s11, $0x3  }
0x72: {  	[sflag:s29] =	ssyncadd.s32 $0xFFFFD800;
	s13 =	simm.s32 @!p0 $0x0;
	s11 =	sadd.s32 @!p0 s1, s11  }
0x73: {  	[tilespmem:s20], [sflag:$0x2] =	stream.linear.gather @!p0 [hbm4b:s11+s13], $0x80, $0x38;
	[tilespmem:$0x1E200] =	vst v63  }
0x74: {  	_ =	swait.ge [sflag:s30], $0x2800  }
0x75: {  	[sflag:s30] =	ssyncset.done $0x0  }
0x76: {  	s26 =	simm.s32 $0x0;
	[sflag:s30] =	ssyncadd.s32 $0xFFFFD800  }
0x77: {  	v7 =	vld [tilespmem:s26+$0x7A00]  }
0x78: {  	v11 =	vld [tilespmem:s26+$0x7A10]  }
0x79: {  	v5 =	vld [tilespmem:s26+$0x7A20]  }
0x7a: {  	v4 =	vld [tilespmem:s26+$0x7A30]  }
0x7b: {  	v3 =	vld [tilespmem:s26+$0x7A40]  }
0x7c: {  	v2 =	vld [tilespmem:s26+$0x7A50]  }
0x7d: {  	v1 =	vld [tilespmem:s26+$0x7A60]  }
0x7e: {  	v0 =	vld [tilespmem:s26+$0x7A70]  }
0x7f: {  	v12 =	vld [tilespmem:s26+$0x2A00]  }
0x80: {  	v13 =	vld [tilespmem:s26+$0x2A10]  }
0x81: {  	v10 =	vld [tilespmem:s26+$0x2A20]  }
0x82: {  	v9 =	vld [tilespmem:s26+$0x2A30]  }
0x83: {  	v8 =	vld [tilespmem:s26+$0x2A40]  }
0x84: {  	v6 =	vld [tilespmem:s26+$0x2A50];
	v12 =	vmul.f32 v7, v12  }
0x85: {  	s11 =	simm.s32 $0x200;
	v11 =	vmul.f32 v11, v13;
	v7 =	vld [tilespmem:s26+$0x2A60]  }
.LBB2_7:
0x86: {  	s13 =	sshra.s32 s11, $0x2;
	p0 =	sne.s32 s11, $0x9E00;
	[tilespmem:s26+$0x2A00] =	vst v12;
	v5 =	vmul.f32 v5, v10;
	v10 =	vld [tilespmem:s26+$0x2A70]  }
0x87: {  	v12 =	vld [tilespmem:s13+$0x7A00];
	[tilespmem:s26+$0x2A10] =	vst v11;
	v4 =	vmul.f32 v4, v9  }
0x88: {  	v11 =	vld [tilespmem:s13+$0x7A10];
	[tilespmem:s26+$0x2A20] =	vst v5;
	v3 =	vmul.f32 v3, v8  }
0x89: {  	v5 =	vld [tilespmem:s13+$0x7A20];
	[tilespmem:s26+$0x2A30] =	vst v4;
	v2 =	vmul.f32 v2, v6  }
0x8a: {  	v4 =	vld [tilespmem:s13+$0x7A30];
	[tilespmem:s26+$0x2A40] =	vst v3;
	v1 =	vmul.f32 v1, v7  }
0x8b: {  	v3 =	vld [tilespmem:s13+$0x7A40];
	[tilespmem:s26+$0x2A50] =	vst v2;
	v0 =	vmul.f32 v0, v10  }
0x8c: {  	v2 =	vld [tilespmem:s13+$0x7A50];
	[tilespmem:s26+$0x2A60] =	vst v1  }
0x8d: {  	v1 =	vld [tilespmem:s13+$0x7A60];
	[tilespmem:s26+$0x2A70] =	vst v0;
	s26 =	smov.u32 s13  }
0x8e: {  	v0 =	vld [tilespmem:s26+$0x7A70]  }
0x8f: {  	v6 =	vld [tilespmem:s26+$0x2A00]  }
0x90: {  	v7 =	vld [tilespmem:s26+$0x2A10]  }
.Ltmp5:
0x91: {  	v10 =	vld [tilespmem:s26+$0x2A20];
	(pc) =	sbr.rel @p0 .LBB2_7-.Ltmp5, $4  }
0x92: {  	v9 =	vld [tilespmem:s26+$0x2A30]  }
0x93: {  	v8 =	vld [tilespmem:s26+$0x2A40]  }
0x94: {  	v12 =	vmul.f32 v12, v6;
	v6 =	vld [tilespmem:s26+$0x2A50]  }
0x95: {  	s11 =	sadd.s32 $0x200, s11;
	v11 =	vmul.f32 v11, v7;
	v7 =	vld [tilespmem:s26+$0x2A60]  }
0x96: {  	[tilespmem:s26+$0x2A00] =	vst v12;
	v5 =	vmul.f32 v5, v10;
	v63 =	vld [tilespmem:s26+$0x2A70]  }
0x97: {  	[tilespmem:s26+$0x2A10] =	vst v11;
	v4 =	vmul.f32 v4, v9  }
0x98: {  	[tilespmem:s26+$0x2A20] =	vst v5;
	v3 =	vmul.f32 v3, v8  }
0x99: {  	[tilespmem:s26+$0x2A30] =	vst v4;
	v2 =	vmul.f32 v2, v6  }
0x9a: {  	[tilespmem:s26+$0x2A40] =	vst v3;
	v1 =	vmul.f32 v1, v7  }
0x9b: {  	[tilespmem:s26+$0x2A50] =	vst v2;
	v0 =	vmul.f32 v0, v63  }
0x9c: {  	[tilespmem:s26+$0x2A60] =	vst v1  }
.Ltmp6:
0x9d: {  	[tilespmem:s26+$0x2A70] =	vst v0;
	(pc) =	sbr.rel .LBB2_9-.Ltmp6, $4  }
0x9e: {  	_ =	swait.ge [sflag:s31], $0x80  }
0x9f: {  	[sflag:s31] =	ssyncset.done $0x0  }
0xa0: {  	[sflag:s31] =	ssyncadd.s32 $0xFFFFFF80  }
0xa1: {  	[spmem:s3] =	stream.indirect.scatter.add.f32 [tilespmem:s4], [sflag:$0xA], $0x80, s0, s24, $0xb8;
	[tilespmem:$0x1E200] =	vst v63  }
.LBB2_3:
0xa2: {  	s11 =	sor.u32 $0x1, s23  }
0xa3: {  	s26 =	smul.u32 $0x50, s11;
	_ =	sdelay $0x1  }
0xa4: {  	s26 =	sadd.s32 s15, s26  }
0xa5: {  	s26 =	sshll.u32 s26, $0x7  }
0xa6: {  	s26 =	sadd.s32 s9, s26  }
0xa7: {  	s26 =	sshrl.u32 s26, $0x3  }
0xa8: {  	p0 =	seq.s32 s23, $0x0;
	s26 =	sadd.s32 s7, s26  }
0xa9: {  	[tilespmem:s14], [sflag:$0x8] =	stream.linear.gather [hbm4b:s26+s5], $0x2800, $0x38;
	[tilespmem:$0x1E200] =	vst v63  }
0xaa: {  	s26 =	simm.s32 @!p0 $0xA  }
0xab: {  	_ =	swait.ge @!p0 [sflag:s26], $0x2800  }
0xac: {  	[sflag:s26] =	ssyncset.done @!p0 $0x0  }
0xad: {  	[sflag:s26] =	ssyncadd.s32 @!p0 $0xFFFFD800  }
0xae: {  	s11 =	sshll.u32 s11, $0x7;
	_ =	swait.ge [sflag:s16], $0x80  }
0xaf: {  	s11 =	sadd.s32 s8, s11;
	[sflag:s16] =	ssyncset.done $0x0  }
0xb0: {  	s11 =	sshrl.u32 s11, $0x3;
	[sflag:s16] =	ssyncadd.s32 $0xFFFFFF80  }
0xb1: {  	[tilespmem:s4], [sflag:$0x6] =	stream.indirect.gather [hbm4b:s6+s24], $0x80, s22, s24, $0xb8;
	[tilespmem:$0x1E200] =	vst v63  }
0xb2: {  	s11 =	sadd.s32 s2, s11;
	p0 =	sgt.u32 s23, $0x7D  }
0xb3: {  	[tilespmem:s0], [sflag:$0x4] =	stream.linear.gather [hbm4b:s11+s5], $0x80, $0x38;
	[tilespmem:$0x1E200] =	vst v63  }
0xb4: {  	s11 =	sshll.u32 @!p0 s23, $0x7  }
0xb5: {  	s11 =	sadd.s32 @!p0 $0x100, s11  }
0xb6: {  	s26 =	sand.u32 @!p0 $0x7C00, s11  }
0xb7: {  	s11 =	sand.u32 @!p0 $0x300, s11;
	s26 =	sadd.s32 @!p0 s10, s26  }
0xb8: {  	_ =	swait.ge [sflag:s17], $0x2800;
	s11 =	sor.u32 @!p0 s11, s26  }
0xb9: {  	[sflag:s17] =	ssyncset.done $0x0;
	s11 =	sshrl.u32 @!p0 s11, $0x3  }
0xba: {  	[sflag:s17] =	ssyncadd.s32 $0xFFFFD800;
	s26 =	simm.s32 @!p0 $0x0;
	s11 =	sadd.s32 @!p0 s1, s11  }
0xbb: {  	[tilespmem:s26], [sflag:$0x1] =	stream.linear.gather @!p0 [hbm4b:s11+s26], $0x80, $0x38;
	[tilespmem:$0x1E200] =	vst v63  }
0xbc: {  	_ =	swait.ge [sflag:s18], $0x2800  }
0xbd: {  	[sflag:s18] =	ssyncset.done $0x0  }
0xbe: {  	s26 =	simm.s32 $0x0;
	[sflag:s18] =	ssyncadd.s32 $0xFFFFD800  }
0xbf: {  	v7 =	vld [tilespmem:s26+$0x5200]  }
0xc0: {  	v11 =	vld [tilespmem:s26+$0x5210]  }
0xc1: {  	v5 =	vld [tilespmem:s26+$0x5220]  }
0xc2: {  	v4 =	vld [tilespmem:s26+$0x5230]  }
0xc3: {  	v3 =	vld [tilespmem:s26+$0x5240]  }
0xc4: {  	v2 =	vld [tilespmem:s26+$0x5250]  }
0xc5: {  	v1 =	vld [tilespmem:s26+$0x5260]  }
0xc6: {  	v0 =	vld [tilespmem:s26+$0x5270]  }
0xc7: {  	v12 =	vld [tilespmem:s26+$0x200]  }
0xc8: {  	v13 =	vld [tilespmem:s26+$0x210]  }
0xc9: {  	v10 =	vld [tilespmem:s26+$0x220]  }
0xca: {  	v9 =	vld [tilespmem:s26+$0x230]  }
0xcb: {  	v8 =	vld [tilespmem:s26+$0x240]  }
0xcc: {  	v6 =	vld [tilespmem:s26+$0x250];
	v12 =	vmul.f32 v7, v12  }
0xcd: {  	s11 =	simm.s32 $0x200;
	v11 =	vmul.f32 v11, v13;
	v7 =	vld [tilespmem:s26+$0x260]  }
.LBB2_4:
0xce: {  	s13 =	sshra.s32 s11, $0x2;
	p0 =	sne.s32 s11, $0x9E00;
	[tilespmem:s26+$0x200] =	vst v12;
	v5 =	vmul.f32 v5, v10;
	v10 =	vld [tilespmem:s26+$0x270]  }
0xcf: {  	v4 =	vmul.f32 v4, v9;
	v12 =	vld [tilespmem:s13+$0x5200];
	[tilespmem:s26+$0x210] =	vst v11  }
0xd0: {  	v3 =	vmul.f32 v3, v8;
	v11 =	vld [tilespmem:s13+$0x5210];
	[tilespmem:s26+$0x220] =	vst v5  }
0xd1: {  	v2 =	vmul.f32 v2, v6;
	v5 =	vld [tilespmem:s13+$0x5220];
	[tilespmem:s26+$0x230] =	vst v4  }
0xd2: {  	v1 =	vmul.f32 v1, v7;
	v4 =	vld [tilespmem:s13+$0x5230];
	[tilespmem:s26+$0x240] =	vst v3  }
0xd3: {  	v3 =	vld [tilespmem:s13+$0x5240];
	[tilespmem:s26+$0x250] =	vst v2;
	v0 =	vmul.f32 v0, v10  }
0xd4: {  	v2 =	vld [tilespmem:s13+$0x5250];
	[tilespmem:s26+$0x260] =	vst v1  }
0xd5: {  	v1 =	vld [tilespmem:s13+$0x5260];
	[tilespmem:s26+$0x270] =	vst v0;
	s26 =	smov.u32 s13  }
0xd6: {  	v0 =	vld [tilespmem:s26+$0x5270]  }
0xd7: {  	v6 =	vld [tilespmem:s26+$0x200]  }
0xd8: {  	v7 =	vld [tilespmem:s26+$0x210]  }
.Ltmp7:
0xd9: {  	v10 =	vld [tilespmem:s26+$0x220];
	(pc) =	sbr.rel @p0 .LBB2_4-.Ltmp7, $4  }
0xda: {  	v9 =	vld [tilespmem:s26+$0x230]  }
0xdb: {  	v8 =	vld [tilespmem:s26+$0x240]  }
0xdc: {  	v12 =	vmul.f32 v12, v6;
	v6 =	vld [tilespmem:s26+$0x250]  }
0xdd: {  	s11 =	sadd.s32 $0x200, s11;
	v11 =	vmul.f32 v11, v7;
	v7 =	vld [tilespmem:s26+$0x260]  }
.Ltmp8:
0xde: {  	_ = 	snop;
	(pc) =	sbr.rel .LBB2_5-.Ltmp8, $1  }
0xdf: {  	_ =	sdelay $0x3  }
.LBB2_11:
0xe0: {  	_ =	sfence.sel $0x180000  }
0xe1: {  	[bflag:$0x0] =	sbarrier.arrive $0xFFFF  }
0xe2: {  	_ =	strace $0x90000047  }
0xe3: {  	s0 =	stileid.u32;
	[bflag:$0x2] =	sbarrier.arrive $0xFFFF  }
0xe4: {  	p0 =	sne.s32 s0, $0x0;
	s0 =	rddreg [dreg:$0x4]  }
0xe5: {  	s0 =	sadd.s32 @!p0 $0x100000, s0  }
0xe6: {  	[sflag:s0] =	ssyncadd.tile.s32 @!p0 $0x1;
	_ =	shalt  }
.Lfunc_end2:
_tile_overlayer_lowered:
.L_overlay_start_2:
0xe7: {  	(tag) =	ssettag $0x2  }
0xe8: {  	s0 =	rddreg [dreg:$0x0];
	s2 =	stileid.u32  }
0xe9: {  	s1 =	rddreg [dreg:$0x1];
	p0 =	sne.s32 s2, $0x0  }
0xea: {  	s3 =	rddreg [dreg:$0x2];
	[bflag:$0x3] =	sbarrier.arrive $0xFFFF;
	s2 =	simm.s32 @!p0 $0x1C0B  }
0xeb: {  	[timem:s3], [sflag:s2] =	dma.local @!p0 [hbm:s0], s1  }
0xec: {  	s0 =	simm.s32 @!p0 $0xB  }
0xed: {  	_ =	swait.ge @!p0 [sflag:s0], s1  }
0xee: {  	s1 =	ssub.s32 @!p0 $0x0, s1;
	[sflag:s0] =	ssyncset.done @!p0 $0x0  }
0xef: {  	[sflag:s0] =	ssyncadd.s32 @!p0 s1  }
0xf0: {  	[bflag:$0x3] =	sbarrier.arrive $0xFFFF  }
0xf1: {  	_ =	shalt  }

</sc_bundles>
